<compile_context>
chip_gen: v7x
topology: tpu7x:2x2x1
jax: 0.10.2.dev20260603
libtpu: 0.0.44.dev20260713+nightly
codegen_flags: <defaults>
</compile_context>

<pallas_src>
import functools

import jax
import jax.numpy as jnp
from jax import lax
from jax.experimental import pallas as pl
from jax.experimental.pallas import tpu as pltpu
from jax.experimental.pallas import tpu_sc as plsc

B = 1024
L = 200
D = 128
N = B * L
NW = 32
PER_W = N // NW
CHUNK = 128
NCHUNK = PER_W // CHUNK
NG = CHUNK // 16
NLANE = 16


def _emb_body(x_hbm, seg_hbm, tok_hbm, segtab_hbm, postab_hbm, out_hbm,
              tidx, sidx, tok_a, tok_b, ps3, seg_buf,
              gsem_a, gsem_b, wsem_a, wsem_b):
    wid = lax.axis_index("s") * 2 + lax.axis_index("c")
    base0 = wid * PER_W

    pltpu.sync_copy(x_hbm.at[pl.ds(base0, PER_W)], tidx)
    pltpu.sync_copy(seg_hbm.at[pl.ds(base0, PER_W)], sidx)
    pltpu.sync_copy(segtab_hbm, seg_buf)
    for s in range(3):
        pltpu.sync_copy(postab_hbm.at[pl.ds(0, L)],
                        ps3.at[pl.ds(s * L, L)])

    @plsc.parallel_loop(0, L)
    def ps3_body(i):
        for s in range(3):
            row = s * L + i
            for j in range(D // NLANE):
                sl = pl.ds(j * NLANE, NLANE)
                ps3[row, sl] = ps3[row, sl] + seg_buf[s, sl]

    lanes = jax.lax.iota(jnp.int32, NLANE)
    bufs = [tok_a, tok_b]
    gsems = [gsem_a, gsem_b]
    wsems = [wsem_a, wsem_b]

    def issue_gather(k, b):
        pltpu.async_copy(tok_hbm.at[tidx.at[pl.ds(k * CHUNK, CHUNK)]],
                         bufs[b], gsems[b])

    def drain(sem):
        pltpu.make_async_copy(out_hbm.at[pl.ds(0, CHUNK)], bufs[0],
                              sem).wait()

    issue_gather(0, 0)

    def chunk_pair(ci2, _):
        for b in range(2):
            k = ci2 * 2 + b
            lbase = k * CHUNK
            base = base0 + lbase
            buf = bufs[b]

            @pl.when(k + 1 < NCHUNK)
            def _():
                @pl.when(k >= 1)
                def _():
                    drain(wsems[1 - b])
                issue_gather(k + 1, 1 - b)

            rows_g = []
            psrow_g = []
            for g in range(NG):
                rows = lanes + g * NLANE
                lvec = lax.rem(rows + base, jnp.int32(L))
                sv = sidx[pl.ds(lbase + g * NLANE, NLANE)]
                rows_g.append(rows)
                psrow_g.append(sv * jnp.int32(L) + lvec)

            drain(gsems[b])

            @plsc.parallel_loop(0, D, unroll=8)
            def col_body(c):
                colv = lax.bitwise_and(lanes + c, jnp.int32(D - 1))
                for g in range(NG):
                    p = plsc.load_gather(ps3, [psrow_g[g], colv])
                    plsc.addupdate_scatter(buf, [rows_g[g], colv], p)

            pltpu.async_copy(buf, out_hbm.at[pl.ds(base, CHUNK)], wsems[b])
        return 0

    lax.fori_loop(0, NCHUNK // 2, chunk_pair, 0)
    drain(wsems[0])
    drain(wsems[1])


def kernel(x, x_segment, token_table, segment_table, position_table):
    mesh = plsc.VectorSubcoreMesh(core_axis_name="c", subcore_axis_name="s")
    run = functools.partial(
        pl.kernel,
        mesh=mesh,
        compiler_params=pltpu.CompilerParams(needs_layout_passes=False),
        out_type=jax.ShapeDtypeStruct((N, D), jnp.float32),
        scratch_types=[
            pltpu.VMEM((PER_W,), jnp.int32),
            pltpu.VMEM((PER_W,), jnp.int32),
            pltpu.VMEM((CHUNK, D), jnp.float32),
            pltpu.VMEM((CHUNK, D), jnp.float32),
            pltpu.VMEM((3 * L, D), jnp.float32),
            pltpu.VMEM((3, D), jnp.float32),
            pltpu.SemaphoreType.DMA,
            pltpu.SemaphoreType.DMA,
            pltpu.SemaphoreType.DMA,
            pltpu.SemaphoreType.DMA,
        ],
    )(_emb_body)
    out = run(
        x.reshape(N),
        x_segment.reshape(N),
        token_table,
        segment_table,
        position_table,
    )
    return out.reshape(B, L, D)

# --- scband reference (transcript-rebuilt; emitter-appended) ---
"""Pipeline reference for scband-joint-bertembedding-68367289418393 (READ-ONLY COPY).

The authoritative reference and input builder live on the scoring server;
editing this copy changes nothing except your own understanding.
"""

import jax, jax.numpy as jnp
import numpy as np

VOCAB = 100000
D_MODEL = 128
MAX_SEQ = 2048
B = 1024
L = 200

def setup_inputs(seed: int = 0) -> dict:
    key = jax.random.key(seed)
    k1, k2, k3, k4, k5 = jax.random.split(key, 5)
    x = jax.random.randint(k1, (B, L), 0, VOCAB, dtype=jnp.int64 if jax.config.jax_enable_x64 else jnp.int32).astype(jnp.int32)
    x_segment = jax.random.randint(k2, (B, L), 0, 3, dtype=jnp.int32)
    token_table = jax.random.normal(k3, (VOCAB, D_MODEL), dtype=jnp.float32)
    token_table = token_table.at[0].set(0.0)  # padding_idx=0
    segment_table = jax.random.normal(k4, (3, D_MODEL), dtype=jnp.float32)
    segment_table = segment_table.at[0].set(0.0)  # padding_idx=0
    position_table = jax.random.normal(k5, (MAX_SEQ, D_MODEL), dtype=jnp.float32) * 0.02
    return {"x": x, "x_segment": x_segment, "token_table": token_table, "segment_table": segment_table, "position_table": position_table}

def reference(x, x_segment, token_table, segment_table, position_table):
    token_embeddings = jnp.take(token_table, x, axis=0)
    segment_embeddings = jnp.take(segment_table, x_segment, axis=0)
    seq_length = x.shape[1]
    position_ids = jnp.arange(seq_length, dtype=jnp.int32)
    position_ids = jnp.broadcast_to(position_ids[None, :], x.shape)
    position_embeddings = jnp.take(position_table, position_ids, axis=0)
    embeddings = token_embeddings + segment_embeddings + position_embeddings
    # dropout is identity in eval mode
    return embeddings

if __name__ == "__main__":
    import jax
    _d = setup_inputs()
    print(jax.jit(kernel)(*tuple(_d.values())))

</pallas_src>

<mosaic_0001>
#map = affine_map<(d0, d1) -> (0)>
#map1 = affine_map<(d0, d1) -> (0, 0)>
module attributes {stable_mosaic.version = 14 : i64} {
  func.func @_emb_body(%arg0: i32, %arg1: i32, %arg2: memref<204800xi32, #tpu.memory_space<hbm>>, %arg3: memref<204800xi32, #tpu.memory_space<hbm>>, %arg4: memref<100000x128xf32, #tpu.memory_space<hbm>>, %arg5: memref<3x128xf32, #tpu.memory_space<hbm>>, %arg6: memref<2048x128xf32, #tpu.memory_space<hbm>>, %arg7: memref<204800x128xf32, #tpu.memory_space<hbm>>, %arg8: memref<6400xi32, #tpu.memory_space<vmem>>, %arg9: memref<6400xi32, #tpu.memory_space<vmem>>, %arg10: memref<128x128xf32, #tpu.memory_space<vmem>>, %arg11: memref<128x128xf32, #tpu.memory_space<vmem>>, %arg12: memref<600x128xf32, #tpu.memory_space<vmem>>, %arg13: memref<3x128xf32, #tpu.memory_space<vmem>>, %arg14: memref<!tpu.dma_semaphore, #tpu.memory_space<semaphore_mem>>, %arg15: memref<!tpu.dma_semaphore, #tpu.memory_space<semaphore_mem>>, %arg16: memref<!tpu.dma_semaphore, #tpu.memory_space<semaphore_mem>>, %arg17: memref<!tpu.dma_semaphore, #tpu.memory_space<semaphore_mem>>) attributes {dimension_semantics = [#tpu.dimension_semantics<core_parallel>, #tpu.dimension_semantics<subcore_parallel>], iteration_bounds = array<i64: 2, 16>, scalar_prefetch = 0 : i64, scratch_operands = 10 : i64, tpu.core_type = #tpu.core_type<sc_vector_subcore>, window_params = [{transform_indices = #map}, {transform_indices = #map}, {transform_indices = #map1}, {transform_indices = #map1}, {transform_indices = #map1}, {transform_indices = #map1}]} {
    %mul3A = arith.constant 2 : i32
    %mul3A_0 = arith.muli %arg1, %mul3A : i32
    %add3A = arith.addi %mul3A_0, %arg0 : i32
    %mul3A_1 = arith.constant 6400 : i32
    %mul3A_2 = arith.muli %add3A, %mul3A_1 : i32
    "tpu.region"() ({
      %run_scoped3A = tpu.sem_alloc : memref<!tpu.dma_semaphore, #tpu.memory_space<semaphore_mem>>
      %dma_start3A_26 = tpu.memref_slice %arg2[%mul3A_2] : memref<204800xi32, #tpu.memory_space<hbm>> -> memref<6400xi32, #tpu.memory_space<hbm>>
      %dma_start3A_27 = tpu.memref_slice %arg2[%mul3A_2] : memref<204800xi32, #tpu.memory_space<hbm>> -> memref<6400xi32, #tpu.memory_space<hbm>>
      tpu.enqueue_dma source(%dma_start3A_27 : memref<6400xi32, #tpu.memory_space<hbm>>) target(%arg8 : memref<6400xi32, #tpu.memory_space<vmem>>) target_semaphore(%run_scoped3A : memref<!tpu.dma_semaphore, #tpu.memory_space<semaphore_mem>>)
      %dma_wait3A_28 = tpu.memref_slice %arg2[%mul3A_2] : memref<204800xi32, #tpu.memory_space<hbm>> -> memref<6400xi32, #tpu.memory_space<hbm>>
      %dma_wait3A_29 = tpu.memref_slice %arg2[%mul3A_2] : memref<204800xi32, #tpu.memory_space<hbm>> -> memref<6400xi32, #tpu.memory_space<hbm>>
      tpu.wait_dma2 semaphore(%run_scoped3A : memref<!tpu.dma_semaphore, #tpu.memory_space<semaphore_mem>>) src(%dma_wait3A_29 : memref<6400xi32, #tpu.memory_space<hbm>>) dst(%arg8 : memref<6400xi32, #tpu.memory_space<vmem>>)
      tpu.yield
    }) : () -> ()
    "tpu.region"() ({
      %run_scoped3A = tpu.sem_alloc : memref<!tpu.dma_semaphore, #tpu.memory_space<semaphore_mem>>
      %dma_start3A_26 = tpu.memref_slice %arg3[%mul3A_2] : memref<204800xi32, #tpu.memory_space<hbm>> -> memref<6400xi32, #tpu.memory_space<hbm>>
      %dma_start3A_27 = tpu.memref_slice %arg3[%mul3A_2] : memref<204800xi32, #tpu.memory_space<hbm>> -> memref<6400xi32, #tpu.memory_space<hbm>>
      tpu.enqueue_dma source(%dma_start3A_27 : memref<6400xi32, #tpu.memory_space<hbm>>) target(%arg9 : memref<6400xi32, #tpu.memory_space<vmem>>) target_semaphore(%run_scoped3A : memref<!tpu.dma_semaphore, #tpu.memory_space<semaphore_mem>>)
      %dma_wait3A_28 = tpu.memref_slice %arg3[%mul3A_2] : memref<204800xi32, #tpu.memory_space<hbm>> -> memref<6400xi32, #tpu.memory_space<hbm>>
      %dma_wait3A_29 = tpu.memref_slice %arg3[%mul3A_2] : memref<204800xi32, #tpu.memory_space<hbm>> -> memref<6400xi32, #tpu.memory_space<hbm>>
      tpu.wait_dma2 semaphore(%run_scoped3A : memref<!tpu.dma_semaphore, #tpu.memory_space<semaphore_mem>>) src(%dma_wait3A_29 : memref<6400xi32, #tpu.memory_space<hbm>>) dst(%arg9 : memref<6400xi32, #tpu.memory_space<vmem>>)
      tpu.yield
    }) : () -> ()
    "tpu.region"() ({
      %run_scoped3A = tpu.sem_alloc : memref<!tpu.dma_semaphore, #tpu.memory_space<semaphore_mem>>
      tpu.enqueue_dma source(%arg5 : memref<3x128xf32, #tpu.memory_space<hbm>>) target(%arg13 : memref<3x128xf32, #tpu.memory_space<vmem>>) target_semaphore(%run_scoped3A : memref<!tpu.dma_semaphore, #tpu.memory_space<semaphore_mem>>)
      tpu.wait_dma2 semaphore(%run_scoped3A : memref<!tpu.dma_semaphore, #tpu.memory_space<semaphore_mem>>) src(%arg5 : memref<3x128xf32, #tpu.memory_space<hbm>>) dst(%arg13 : memref<3x128xf32, #tpu.memory_space<vmem>>)
      tpu.yield
    }) : () -> ()
    "tpu.region"() ({
      %run_scoped3A = tpu.sem_alloc : memref<!tpu.dma_semaphore, #tpu.memory_space<semaphore_mem>>
      %dma_start3A_26 = arith.constant 0 : i32
      %dma_start3A_27 = arith.constant 0 : i32
      %dma_start3A_28 = tpu.memref_slice %arg12[%dma_start3A_26, %dma_start3A_27] : memref<600x128xf32, #tpu.memory_space<vmem>> -> memref<200x128xf32, #tpu.memory_space<vmem>>
      %dma_start3A_29 = arith.constant 0 : i32
      %dma_start3A_30 = arith.constant 0 : i32
      %dma_start3A_31 = tpu.memref_slice %arg6[%dma_start3A_29, %dma_start3A_30] : memref<2048x128xf32, #tpu.memory_space<hbm>> -> memref<200x128xf32, #tpu.memory_space<hbm>>
      %dma_start3A_32 = arith.constant 0 : i32
      %dma_start3A_33 = arith.constant 0 : i32
      %dma_start3A_34 = tpu.memref_slice %arg12[%dma_start3A_32, %dma_start3A_33] : memref<600x128xf32, #tpu.memory_space<vmem>> -> memref<200x128xf32, #tpu.memory_space<vmem>>
      %dma_start3A_35 = arith.constant 0 : i32
      %dma_start3A_36 = arith.constant 0 : i32
      %dma_start3A_37 = tpu.memref_slice %arg6[%dma_start3A_35, %dma_start3A_36] : memref<2048x128xf32, #tpu.memory_space<hbm>> -> memref<200x128xf32, #tpu.memory_space<hbm>>
      tpu.enqueue_dma source(%dma_start3A_37 : memref<200x128xf32, #tpu.memory_space<hbm>>) target(%dma_start3A_34 : memref<200x128xf32, #tpu.memory_space<vmem>>) target_semaphore(%run_scoped3A : memref<!tpu.dma_semaphore, #tpu.memory_space<semaphore_mem>>)
      %dma_wait3A_38 = arith.constant 0 : i32
      %dma_wait3A_39 = arith.constant 0 : i32
      %dma_wait3A_40 = tpu.memref_slice %arg12[%dma_wait3A_38, %dma_wait3A_39] : memref<600x128xf32, #tpu.memory_space<vmem>> -> memref<200x128xf32, #tpu.memory_space<vmem>>
      %dma_wait3A_41 = arith.constant 0 : i32
      %dma_wait3A_42 = arith.constant 0 : i32
      %dma_wait3A_43 = tpu.memref_slice %arg6[%dma_wait3A_41, %dma_wait3A_42] : memref<2048x128xf32, #tpu.memory_space<hbm>> -> memref<200x128xf32, #tpu.memory_space<hbm>>
      %dma_wait3A_44 = arith.constant 0 : i32
      %dma_wait3A_45 = arith.constant 0 : i32
      %dma_wait3A_46 = tpu.memref_slice %arg12[%dma_wait3A_44, %dma_wait3A_45] : memref<600x128xf32, #tpu.memory_space<vmem>> -> memref<200x128xf32, #tpu.memory_space<vmem>>
      %dma_wait3A_47 = arith.constant 0 : i32
      %dma_wait3A_48 = arith.constant 0 : i32
      %dma_wait3A_49 = tpu.memref_slice %arg6[%dma_wait3A_47, %dma_wait3A_48] : memref<2048x128xf32, #tpu.memory_space<hbm>> -> memref<200x128xf32, #tpu.memory_space<hbm>>
      tpu.wait_dma2 semaphore(%run_scoped3A : memref<!tpu.dma_semaphore, #tpu.memory_space<semaphore_mem>>) src(%dma_wait3A_49 : memref<200x128xf32, #tpu.memory_space<hbm>>) dst(%dma_wait3A_46 : memref<200x128xf32, #tpu.memory_space<vmem>>)
      tpu.yield
    }) : () -> ()
    "tpu.region"() ({
      %run_scoped3A = tpu.sem_alloc : memref<!tpu.dma_semaphore, #tpu.memory_space<semaphore_mem>>
      %dma_start3A_26 = arith.constant 200 : i32
      %dma_start3A_27 = arith.constant 0 : i32
      %dma_start3A_28 = tpu.memref_slice %arg12[%dma_start3A_26, %dma_start3A_27] : memref<600x128xf32, #tpu.memory_space<vmem>> -> memref<200x128xf32, #tpu.memory_space<vmem>>
      %dma_start3A_29 = arith.constant 0 : i32
      %dma_start3A_30 = arith.constant 0 : i32
      %dma_start3A_31 = tpu.memref_slice %arg6[%dma_start3A_29, %dma_start3A_30] : memref<2048x128xf32, #tpu.memory_space<hbm>> -> memref<200x128xf32, #tpu.memory_space<hbm>>
      %dma_start3A_32 = arith.constant 200 : i32
      %dma_start3A_33 = arith.constant 0 : i32
      %dma_start3A_34 = tpu.memref_slice %arg12[%dma_start3A_32, %dma_start3A_33] : memref<600x128xf32, #tpu.memory_space<vmem>> -> memref<200x128xf32, #tpu.memory_space<vmem>>
      %dma_start3A_35 = arith.constant 0 : i32
      %dma_start3A_36 = arith.constant 0 : i32
      %dma_start3A_37 = tpu.memref_slice %arg6[%dma_start3A_35, %dma_start3A_36] : memref<2048x128xf32, #tpu.memory_space<hbm>> -> memref<200x128xf32, #tpu.memory_space<hbm>>
      tpu.enqueue_dma source(%dma_start3A_37 : memref<200x128xf32, #tpu.memory_space<hbm>>) target(%dma_start3A_34 : memref<200x128xf32, #tpu.memory_space<vmem>>) target_semaphore(%run_scoped3A : memref<!tpu.dma_semaphore, #tpu.memory_space<semaphore_mem>>)
      %dma_wait3A_38 = arith.constant 200 : i32
      %dma_wait3A_39 = arith.constant 0 : i32
      %dma_wait3A_40 = tpu.memref_slice %arg12[%dma_wait3A_38, %dma_wait3A_39] : memref<600x128xf32, #tpu.memory_space<vmem>> -> memref<200x128xf32, #tpu.memory_space<vmem>>
      %dma_wait3A_41 = arith.constant 0 : i32
      %dma_wait3A_42 = arith.constant 0 : i32
      %dma_wait3A_43 = tpu.memref_slice %arg6[%dma_wait3A_41, %dma_wait3A_42] : memref<2048x128xf32, #tpu.memory_space<hbm>> -> memref<200x128xf32, #tpu.memory_space<hbm>>
      %dma_wait3A_44 = arith.constant 200 : i32
      %dma_wait3A_45 = arith.constant 0 : i32
      %dma_wait3A_46 = tpu.memref_slice %arg12[%dma_wait3A_44, %dma_wait3A_45] : memref<600x128xf32, #tpu.memory_space<vmem>> -> memref<200x128xf32, #tpu.memory_space<vmem>>
      %dma_wait3A_47 = arith.constant 0 : i32
      %dma_wait3A_48 = arith.constant 0 : i32
      %dma_wait3A_49 = tpu.memref_slice %arg6[%dma_wait3A_47, %dma_wait3A_48] : memref<2048x128xf32, #tpu.memory_space<hbm>> -> memref<200x128xf32, #tpu.memory_space<hbm>>
      tpu.wait_dma2 semaphore(%run_scoped3A : memref<!tpu.dma_semaphore, #tpu.memory_space<semaphore_mem>>) src(%dma_wait3A_49 : memref<200x128xf32, #tpu.memory_space<hbm>>) dst(%dma_wait3A_46 : memref<200x128xf32, #tpu.memory_space<vmem>>)
      tpu.yield
    }) : () -> ()
    "tpu.region"() ({
      %run_scoped3A = tpu.sem_alloc : memref<!tpu.dma_semaphore, #tpu.memory_space<semaphore_mem>>
      %dma_start3A_26 = arith.constant 400 : i32
      %dma_start3A_27 = arith.constant 0 : i32
      %dma_start3A_28 = tpu.memref_slice %arg12[%dma_start3A_26, %dma_start3A_27] : memref<600x128xf32, #tpu.memory_space<vmem>> -> memref<200x128xf32, #tpu.memory_space<vmem>>
      %dma_start3A_29 = arith.constant 0 : i32
      %dma_start3A_30 = arith.constant 0 : i32
      %dma_start3A_31 = tpu.memref_slice %arg6[%dma_start3A_29, %dma_start3A_30] : memref<2048x128xf32, #tpu.memory_space<hbm>> -> memref<200x128xf32, #tpu.memory_space<hbm>>
      %dma_start3A_32 = arith.constant 400 : i32
      %dma_start3A_33 = arith.constant 0 : i32
      %dma_start3A_34 = tpu.memref_slice %arg12[%dma_start3A_32, %dma_start3A_33] : memref<600x128xf32, #tpu.memory_space<vmem>> -> memref<200x128xf32, #tpu.memory_space<vmem>>
      %dma_start3A_35 = arith.constant 0 : i32
      %dma_start3A_36 = arith.constant 0 : i32
      %dma_start3A_37 = tpu.memref_slice %arg6[%dma_start3A_35, %dma_start3A_36] : memref<2048x128xf32, #tpu.memory_space<hbm>> -> memref<200x128xf32, #tpu.memory_space<hbm>>
      tpu.enqueue_dma source(%dma_start3A_37 : memref<200x128xf32, #tpu.memory_space<hbm>>) target(%dma_start3A_34 : memref<200x128xf32, #tpu.memory_space<vmem>>) target_semaphore(%run_scoped3A : memref<!tpu.dma_semaphore, #tpu.memory_space<semaphore_mem>>)
      %dma_wait3A_38 = arith.constant 400 : i32
      %dma_wait3A_39 = arith.constant 0 : i32
      %dma_wait3A_40 = tpu.memref_slice %arg12[%dma_wait3A_38, %dma_wait3A_39] : memref<600x128xf32, #tpu.memory_space<vmem>> -> memref<200x128xf32, #tpu.memory_space<vmem>>
      %dma_wait3A_41 = arith.constant 0 : i32
      %dma_wait3A_42 = arith.constant 0 : i32
      %dma_wait3A_43 = tpu.memref_slice %arg6[%dma_wait3A_41, %dma_wait3A_42] : memref<2048x128xf32, #tpu.memory_space<hbm>> -> memref<200x128xf32, #tpu.memory_space<hbm>>
      %dma_wait3A_44 = arith.constant 400 : i32
      %dma_wait3A_45 = arith.constant 0 : i32
      %dma_wait3A_46 = tpu.memref_slice %arg12[%dma_wait3A_44, %dma_wait3A_45] : memref<600x128xf32, #tpu.memory_space<vmem>> -> memref<200x128xf32, #tpu.memory_space<vmem>>
      %dma_wait3A_47 = arith.constant 0 : i32
      %dma_wait3A_48 = arith.constant 0 : i32
      %dma_wait3A_49 = tpu.memref_slice %arg6[%dma_wait3A_47, %dma_wait3A_48] : memref<2048x128xf32, #tpu.memory_space<hbm>> -> memref<200x128xf32, #tpu.memory_space<hbm>>
      tpu.wait_dma2 semaphore(%run_scoped3A : memref<!tpu.dma_semaphore, #tpu.memory_space<semaphore_mem>>) src(%dma_wait3A_49 : memref<200x128xf32, #tpu.memory_space<hbm>>) dst(%dma_wait3A_46 : memref<200x128xf32, #tpu.memory_space<vmem>>)
      tpu.yield
    }) : () -> ()
    %parallel_loop3A = arith.constant 0 : i32
    %parallel_loop3A_3 = arith.constant 200 : i32
    %parallel_loop3A_4 = arith.constant 1 : i32
    scf.for %parallel_loop3A_26 = %parallel_loop3A to %parallel_loop3A_3 step %parallel_loop3A_4  : i32 {
      %parallel_loop3A_27 = arith.constant 0 : i32
      %parallel_loop3A_28 = arith.addi %parallel_loop3A_27, %parallel_loop3A_26 : i32
      %parallel_loop3A_29 = arith.index_cast %parallel_loop3A_28 : i32 to index
      %parallel_loop3A_30 = arith.constant 0 : index
      %parallel_loop3A_31 = tpu.vector_load %arg12[%parallel_loop3A_29, %parallel_loop3A_30] {strides = array<i32>} : memref<600x128xf32, #tpu.memory_space<vmem>>, vector<16xf32>,
      %parallel_loop3A_32 = arith.constant 0 : i32
      %parallel_loop3A_33 = arith.index_cast %parallel_loop3A_32 : i32 to index
      %parallel_loop3A_34 = arith.constant 0 : index
      %parallel_loop3A_35 = tpu.vector_load %arg13[%parallel_loop3A_33, %parallel_loop3A_34] {strides = array<i32>} : memref<3x128xf32, #tpu.memory_space<vmem>>, vector<16xf32>,
      %parallel_loop3A_36 = arith.addf %parallel_loop3A_31, %parallel_loop3A_35 : vector<16xf32>
      %parallel_loop3A_37 = arith.index_cast %parallel_loop3A_28 : i32 to index
      %parallel_loop3A_38 = arith.constant 0 : index
      %parallel_loop3A_39 = tpu.vector_load %arg12[%parallel_loop3A_37, %parallel_loop3A_38] {strides = array<i32>} : memref<600x128xf32, #tpu.memory_space<vmem>>, vector<16xf32>,
      tpu.vector_store %arg12[%parallel_loop3A_37, %parallel_loop3A_38], %parallel_loop3A_36 {strides = array<i32>} : memref<600x128xf32, #tpu.memory_space<vmem>>, vector<16xf32>,
      %parallel_loop3A_40 = arith.index_cast %parallel_loop3A_28 : i32 to index
      %parallel_loop3A_41 = arith.constant 16 : index
      %parallel_loop3A_42 = tpu.vector_load %arg12[%parallel_loop3A_40, %parallel_loop3A_41] {strides = array<i32>} : memref<600x128xf32, #tpu.memory_space<vmem>>, vector<16xf32>,
      %parallel_loop3A_43 = arith.constant 0 : i32
      %parallel_loop3A_44 = arith.index_cast %parallel_loop3A_43 : i32 to index
      %parallel_loop3A_45 = arith.constant 16 : index
      %parallel_loop3A_46 = tpu.vector_load %arg13[%parallel_loop3A_44, %parallel_loop3A_45] {strides = array<i32>} : memref<3x128xf32, #tpu.memory_space<vmem>>, vector<16xf32>,
      %parallel_loop3A_47 = arith.addf %parallel_loop3A_42, %parallel_loop3A_46 : vector<16xf32>
      %parallel_loop3A_48 = arith.index_cast %parallel_loop3A_28 : i32 to index
      %parallel_loop3A_49 = arith.constant 16 : index
      %parallel_loop3A_50 = tpu.vector_load %arg12[%parallel_loop3A_48, %parallel_loop3A_49] {strides = array<i32>} : memref<600x128xf32, #tpu.memory_space<vmem>>, vector<16xf32>,
      tpu.vector_store %arg12[%parallel_loop3A_48, %parallel_loop3A_49], %parallel_loop3A_47 {strides = array<i32>} : memref<600x128xf32, #tpu.memory_space<vmem>>, vector<16xf32>,
      %parallel_loop3A_51 = arith.index_cast %parallel_loop3A_28 : i32 to index
      %parallel_loop3A_52 = arith.constant 32 : index
      %parallel_loop3A_53 = tpu.vector_load %arg12[%parallel_loop3A_51, %parallel_loop3A_52] {strides = array<i32>} : memref<600x128xf32, #tpu.memory_space<vmem>>, vector<16xf32>,
      %parallel_loop3A_54 = arith.constant 0 : i32
      %parallel_loop3A_55 = arith.index_cast %parallel_loop3A_54 : i32 to index
      %parallel_loop3A_56 = arith.constant 32 : index
      %parallel_loop3A_57 = tpu.vector_load %arg13[%parallel_loop3A_55, %parallel_loop3A_56] {strides = array<i32>} : memref<3x128xf32, #tpu.memory_space<vmem>>, vector<16xf32>,
      %parallel_loop3A_58 = arith.addf %parallel_loop3A_53, %parallel_loop3A_57 : vector<16xf32>
      %parallel_loop3A_59 = arith.index_cast %parallel_loop3A_28 : i32 to index
      %parallel_loop3A_60 = arith.constant 32 : index
      %parallel_loop3A_61 = tpu.vector_load %arg12[%parallel_loop3A_59, %parallel_loop3A_60] {strides = array<i32>} : memref<600x128xf32, #tpu.memory_space<vmem>>, vector<16xf32>,
      tpu.vector_store %arg12[%parallel_loop3A_59, %parallel_loop3A_60], %parallel_loop3A_58 {strides = array<i32>} : memref<600x128xf32, #tpu.memory_space<vmem>>, vector<16xf32>,
      %parallel_loop3A_62 = arith.index_cast %parallel_loop3A_28 : i32 to index
      %parallel_loop3A_63 = arith.constant 48 : index
      %parallel_loop3A_64 = tpu.vector_load %arg12[%parallel_loop3A_62, %parallel_loop3A_63] {strides = array<i32>} : memref<600x128xf32, #tpu.memory_space<vmem>>, vector<16xf32>,
      %parallel_loop3A_65 = arith.constant 0 : i32
      %parallel_loop3A_66 = arith.index_cast %parallel_loop3A_65 : i32 to index
      %parallel_loop3A_67 = arith.constant 48 : index
      %parallel_loop3A_68 = tpu.vector_load %arg13[%parallel_loop3A_66, %parallel_loop3A_67] {strides = array<i32>} : memref<3x128xf32, #tpu.memory_space<vmem>>, vector<16xf32>,
      %parallel_loop3A_69 = arith.addf %parallel_loop3A_64, %parallel_loop3A_68 : vector<16xf32>
      %parallel_loop3A_70 = arith.index_cast %parallel_loop3A_28 : i32 to index
      %parallel_loop3A_71 = arith.constant 48 : index
      %parallel_loop3A_72 = tpu.vector_load %arg12[%parallel_loop3A_70, %parallel_loop3A_71] {strides = array<i32>} : memref<600x128xf32, #tpu.memory_space<vmem>>, vector<16xf32>,
      tpu.vector_store %arg12[%parallel_loop3A_70, %parallel_loop3A_71], %parallel_loop3A_69 {strides = array<i32>} : memref<600x128xf32, #tpu.memory_space<vmem>>, vector<16xf32>,
      %parallel_loop3A_73 = arith.index_cast %parallel_loop3A_28 : i32 to index
      %parallel_loop3A_74 = arith.constant 64 : index
      %parallel_loop3A_75 = tpu.vector_load %arg12[%parallel_loop3A_73, %parallel_loop3A_74] {strides = array<i32>} : memref<600x128xf32, #tpu.memory_space<vmem>>, vector<16xf32>,
      %parallel_loop3A_76 = arith.constant 0 : i32
      %parallel_loop3A_77 = arith.index_cast %parallel_loop3A_76 : i32 to index
      %parallel_loop3A_78 = arith.constant 64 : index
      %parallel_loop3A_79 = tpu.vector_load %arg13[%parallel_loop3A_77, %parallel_loop3A_78] {strides = array<i32>} : memref<3x128xf32, #tpu.memory_space<vmem>>, vector<16xf32>,
      %parallel_loop3A_80 = arith.addf %parallel_loop3A_75, %parallel_loop3A_79 : vector<16xf32>
      %parallel_loop3A_81 = arith.index_cast %parallel_loop3A_28 : i32 to index
      %parallel_loop3A_82 = arith.constant 64 : index
      %parallel_loop3A_83 = tpu.vector_load %arg12[%parallel_loop3A_81, %parallel_loop3A_82] {strides = array<i32>} : memref<600x128xf32, #tpu.memory_space<vmem>>, vector<16xf32>,
      tpu.vector_store %arg12[%parallel_loop3A_81, %parallel_loop3A_82], %parallel_loop3A_80 {strides = array<i32>} : memref<600x128xf32, #tpu.memory_space<vmem>>, vector<16xf32>,
      %parallel_loop3A_84 = arith.index_cast %parallel_loop3A_28 : i32 to index
      %parallel_loop3A_85 = arith.constant 80 : index
      %parallel_loop3A_86 = tpu.vector_load %arg12[%parallel_loop3A_84, %parallel_loop3A_85] {strides = array<i32>} : memref<600x128xf32, #tpu.memory_space<vmem>>, vector<16xf32>,
      %parallel_loop3A_87 = arith.constant 0 : i32
      %parallel_loop3A_88 = arith.index_cast %parallel_loop3A_87 : i32 to index
      %parallel_loop3A_89 = arith.constant 80 : index
      %parallel_loop3A_90 = tpu.vector_load %arg13[%parallel_loop3A_88, %parallel_loop3A_89] {strides = array<i32>} : memref<3x128xf32, #tpu.memory_space<vmem>>, vector<16xf32>,
      %parallel_loop3A_91 = arith.addf %parallel_loop3A_86, %parallel_loop3A_90 : vector<16xf32>
      %parallel_loop3A_92 = arith.index_cast %parallel_loop3A_28 : i32 to index
      %parallel_loop3A_93 = arith.constant 80 : index
      %parallel_loop3A_94 = tpu.vector_load %arg12[%parallel_loop3A_92, %parallel_loop3A_93] {strides = array<i32>} : memref<600x128xf32, #tpu.memory_space<vmem>>, vector<16xf32>,
      tpu.vector_store %arg12[%parallel_loop3A_92, %parallel_loop3A_93], %parallel_loop3A_91 {strides = array<i32>} : memref<600x128xf32, #tpu.memory_space<vmem>>, vector<16xf32>,
      %parallel_loop3A_95 = arith.index_cast %parallel_loop3A_28 : i32 to index
      %parallel_loop3A_96 = arith.constant 96 : index
      %parallel_loop3A_97 = tpu.vector_load %arg12[%parallel_loop3A_95, %parallel_loop3A_96] {strides = array<i32>} : memref<600x128xf32, #tpu.memory_space<vmem>>, vector<16xf32>,
      %parallel_loop3A_98 = arith.constant 0 : i32
      %parallel_loop3A_99 = arith.index_cast %parallel_loop3A_98 : i32 to index
      %parallel_loop3A_100 = arith.constant 96 : index
      %parallel_loop3A_101 = tpu.vector_load %arg13[%parallel_loop3A_99, %parallel_loop3A_100] {strides = array<i32>} : memref<3x128xf32, #tpu.memory_space<vmem>>, vector<16xf32>,
      %parallel_loop3A_102 = arith.addf %parallel_loop3A_97, %parallel_loop3A_101 : vector<16xf32>
      %parallel_loop3A_103 = arith.index_cast %parallel_loop3A_28 : i32 to index
      %parallel_loop3A_104 = arith.constant 96 : index
      %parallel_loop3A_105 = tpu.vector_load %arg12[%parallel_loop3A_103, %parallel_loop3A_104] {strides = array<i32>} : memref<600x128xf32, #tpu.memory_space<vmem>>, vector<16xf32>,
      tpu.vector_store %arg12[%parallel_loop3A_103, %parallel_loop3A_104], %parallel_loop3A_102 {strides = array<i32>} : memref<600x128xf32, #tpu.memory_space<vmem>>, vector<16xf32>,
      %parallel_loop3A_106 = arith.index_cast %parallel_loop3A_28 : i32 to index
      %parallel_loop3A_107 = arith.constant 112 : index
      %parallel_loop3A_108 = tpu.vector_load %arg12[%parallel_loop3A_106, %parallel_loop3A_107] {strides = array<i32>} : memref<600x128xf32, #tpu.memory_space<vmem>>, vector<16xf32>,
      %parallel_loop3A_109 = arith.constant 0 : i32
      %parallel_loop3A_110 = arith.index_cast %parallel_loop3A_109 : i32 to index
      %parallel_loop3A_111 = arith.constant 112 : index
      %parallel_loop3A_112 = tpu.vector_load %arg13[%parallel_loop3A_110, %parallel_loop3A_111] {strides = array<i32>} : memref<3x128xf32, #tpu.memory_space<vmem>>, vector<16xf32>,
      %parallel_loop3A_113 = arith.addf %parallel_loop3A_108, %parallel_loop3A_112 : vector<16xf32>
      %parallel_loop3A_114 = arith.index_cast %parallel_loop3A_28 : i32 to index
      %parallel_loop3A_115 = arith.constant 112 : index
      %parallel_loop3A_116 = tpu.vector_load %arg12[%parallel_loop3A_114, %parallel_loop3A_115] {strides = array<i32>} : memref<600x128xf32, #tpu.memory_space<vmem>>, vector<16xf32>,
      tpu.vector_store %arg12[%parallel_loop3A_114, %parallel_loop3A_115], %parallel_loop3A_113 {strides = array<i32>} : memref<600x128xf32, #tpu.memory_space<vmem>>, vector<16xf32>,
      %parallel_loop3A_117 = arith.constant 200 : i32
      %parallel_loop3A_118 = arith.addi %parallel_loop3A_117, %parallel_loop3A_26 : i32
      %parallel_loop3A_119 = arith.index_cast %parallel_loop3A_118 : i32 to index
      %parallel_loop3A_120 = arith.constant 0 : index
      %parallel_loop3A_121 = tpu.vector_load %arg12[%parallel_loop3A_119, %parallel_loop3A_120] {strides = array<i32>} : memref<600x128xf32, #tpu.memory_space<vmem>>, vector<16xf32>,
      %parallel_loop3A_122 = arith.constant 1 : i32
      %parallel_loop3A_123 = arith.index_cast %parallel_loop3A_122 : i32 to index
      %parallel_loop3A_124 = arith.constant 0 : index
      %parallel_loop3A_125 = tpu.vector_load %arg13[%parallel_loop3A_123, %parallel_loop3A_124] {strides = array<i32>} : memref<3x128xf32, #tpu.memory_space<vmem>>, vector<16xf32>,
      %parallel_loop3A_126 = arith.addf %parallel_loop3A_121, %parallel_loop3A_125 : vector<16xf32>
      %parallel_loop3A_127 = arith.index_cast %parallel_loop3A_118 : i32 to index
      %parallel_loop3A_128 = arith.constant 0 : index
      %parallel_loop3A_129 = tpu.vector_load %arg12[%parallel_loop3A_127, %parallel_loop3A_128] {strides = array<i32>} : memref<600x128xf32, #tpu.memory_space<vmem>>, vector<16xf32>,
      tpu.vector_store %arg12[%parallel_loop3A_127, %parallel_loop3A_128], %parallel_loop3A_126 {strides = array<i32>} : memref<600x128xf32, #tpu.memory_space<vmem>>, vector<16xf32>,
      %parallel_loop3A_130 = arith.index_cast %parallel_loop3A_118 : i32 to index
      %parallel_loop3A_131 = arith.constant 16 : index
      %parallel_loop3A_132 = tpu.vector_load %arg12[%parallel_loop3A_130, %parallel_loop3A_131] {strides = array<i32>} : memref<600x128xf32, #tpu.memory_space<vmem>>, vector<16xf32>,
      %parallel_loop3A_133 = arith.constant 1 : i32
      %parallel_loop3A_134 = arith.index_cast %parallel_loop3A_133 : i32 to index
      %parallel_loop3A_135 = arith.constant 16 : index
      %parallel_loop3A_136 = tpu.vector_load %arg13[%parallel_loop3A_134, %parallel_loop3A_135] {strides = array<i32>} : memref<3x128xf32, #tpu.memory_space<vmem>>, vector<16xf32>,
      %parallel_loop3A_137 = arith.addf %parallel_loop3A_132, %parallel_loop3A_136 : vector<16xf32>
      %parallel_loop3A_138 = arith.index_cast %parallel_loop3A_118 : i32 to index
      %parallel_loop3A_139 = arith.constant 16 : index
      %parallel_loop3A_140 = tpu.vector_load %arg12[%parallel_loop3A_138, %parallel_loop3A_139] {strides = array<i32>} : memref<600x128xf32, #tpu.memory_space<vmem>>, vector<16xf32>,
      tpu.vector_store %arg12[%parallel_loop3A_138, %parallel_loop3A_139], %parallel_loop3A_137 {strides = array<i32>} : memref<600x128xf32, #tpu.memory_space<vmem>>, vector<16xf32>,
      %parallel_loop3A_141 = arith.index_cast %parallel_loop3A_118 : i32 to index
      %parallel_loop3A_142 = arith.constant 32 : index
      %parallel_loop3A_143 = tpu.vector_load %arg12[%parallel_loop3A_141, %parallel_loop3A_142] {strides = array<i32>} : memref<600x128xf32, #tpu.memory_space<vmem>>, vector<16xf32>,
      %parallel_loop3A_144 = arith.constant 1 : i32
      %parallel_loop3A_145 = arith.index_cast %parallel_loop3A_144 : i32 to index
      %parallel_loop3A_146 = arith.constant 32 : index
      %parallel_loop3A_147 = tpu.vector_load %arg13[%parallel_loop3A_145, %parallel_loop3A_146] {strides = array<i32>} : memref<3x128xf32, #tpu.memory_space<vmem>>, vector<16xf32>,
      %parallel_loop3A_148 = arith.addf %parallel_loop3A_143, %parallel_loop3A_147 : vector<16xf32>
      %parallel_loop3A_149 = arith.index_cast %parallel_loop3A_118 : i32 to index
      %parallel_loop3A_150 = arith.constant 32 : index
      %parallel_loop3A_151 = tpu.vector_load %arg12[%parallel_loop3A_149, %parallel_loop3A_150] {strides = array<i32>} : memref<600x128xf32, #tpu.memory_space<vmem>>, vector<16xf32>,
      tpu.vector_store %arg12[%parallel_loop3A_149, %parallel_loop3A_150], %parallel_loop3A_148 {strides = array<i32>} : memref<600x128xf32, #tpu.memory_space<vmem>>, vector<16xf32>,
      %parallel_loop3A_152 = arith.index_cast %parallel_loop3A_118 : i32 to index
      %parallel_loop3A_153 = arith.constant 48 : index
      %parallel_loop3A_154 = tpu.vector_load %arg12[%parallel_loop3A_152, %parallel_loop3A_153] {strides = array<i32>} : memref<600x128xf32, #tpu.memory_space<vmem>>, vector<16xf32>,
      %parallel_loop3A_155 = arith.constant 1 : i32
      %parallel_loop3A_156 = arith.index_cast %parallel_loop3A_155 : i32 to index
      %parallel_loop3A_157 = arith.constant 48 : index
      %parallel_loop3A_158 = tpu.vector_load %arg13[%parallel_loop3A_156, %parallel_loop3A_157] {strides = array<i32>} : memref<3x128xf32, #tpu.memory_space<vmem>>, vector<16xf32>,
      %parallel_loop3A_159 = arith.addf %parallel_loop3A_154, %parallel_loop3A_158 : vector<16xf32>
      %parallel_loop3A_160 = arith.index_cast %parallel_loop3A_118 : i32 to index
      %parallel_loop3A_161 = arith.constant 48 : index
      %parallel_loop3A_162 = tpu.vector_load %arg12[%parallel_loop3A_160, %parallel_loop3A_161] {strides = array<i32>} : memref<600x128xf32, #tpu.memory_space<vmem>>, vector<16xf32>,
      tpu.vector_store %arg12[%parallel_loop3A_160, %parallel_loop3A_161], %parallel_loop3A_159 {strides = array<i32>} : memref<600x128xf32, #tpu.memory_space<vmem>>, vector<16xf32>,
      %parallel_loop3A_163 = arith.index_cast %parallel_loop3A_118 : i32 to index
      %parallel_loop3A_164 = arith.constant 64 : index
      %parallel_loop3A_165 = tpu.vector_load %arg12[%parallel_loop3A_163, %parallel_loop3A_164] {strides = array<i32>} : memref<600x128xf32, #tpu.memory_space<vmem>>, vector<16xf32>,
      %parallel_loop3A_166 = arith.constant 1 : i32
      %parallel_loop3A_167 = arith.index_cast %parallel_loop3A_166 : i32 to index
      %parallel_loop3A_168 = arith.constant 64 : index
      %parallel_loop3A_169 = tpu.vector_load %arg13[%parallel_loop3A_167, %parallel_loop3A_168] {strides = array<i32>} : memref<3x128xf32, #tpu.memory_space<vmem>>, vector<16xf32>,
      %parallel_loop3A_170 = arith.addf %parallel_loop3A_165, %parallel_loop3A_169 : vector<16xf32>
      %parallel_loop3A_171 = arith.index_cast %parallel_loop3A_118 : i32 to index
      %parallel_loop3A_172 = arith.constant 64 : index
      %parallel_loop3A_173 = tpu.vector_load %arg12[%parallel_loop3A_171, %parallel_loop3A_172] {strides = array<i32>} : memref<600x128xf32, #tpu.memory_space<vmem>>, vector<16xf32>,
      tpu.vector_store %arg12[%parallel_loop3A_171, %parallel_loop3A_172], %parallel_loop3A_170 {strides = array<i32>} : memref<600x128xf32, #tpu.memory_space<vmem>>, vector<16xf32>,
      %parallel_loop3A_174 = arith.index_cast %parallel_loop3A_118 : i32 to index
      %parallel_loop3A_175 = arith.constant 80 : index
      %parallel_loop3A_176 = tpu.vector_load %arg12[%parallel_loop3A_174, %parallel_loop3A_175] {strides = array<i32>} : memref<600x128xf32, #tpu.memory_space<vmem>>, vector<16xf32>,
      %parallel_loop3A_177 = arith.constant 1 : i32
      %parallel_loop3A_178 = arith.index_cast %parallel_loop3A_177 : i32 to index
      %parallel_loop3A_179 = arith.constant 80 : index
      %parallel_loop3A_180 = tpu.vector_load %arg13[%parallel_loop3A_178, %parallel_loop3A_179] {strides = array<i32>} : memref<3x128xf32, #tpu.memory_space<vmem>>, vector<16xf32>,
      %parallel_loop3A_181 = arith.addf %parallel_loop3A_176, %parallel_loop3A_180 : vector<16xf32>
      %parallel_loop3A_182 = arith.index_cast %parallel_loop3A_118 : i32 to index
      %parallel_loop3A_183 = arith.constant 80 : index
      %parallel_loop3A_184 = tpu.vector_load %arg12[%parallel_loop3A_182, %parallel_loop3A_183] {strides = array<i32>} : memref<600x128xf32, #tpu.memory_space<vmem>>, vector<16xf32>,
      tpu.vector_store %arg12[%parallel_loop3A_182, %parallel_loop3A_183], %parallel_loop3A_181 {strides = array<i32>} : memref<600x128xf32, #tpu.memory_space<vmem>>, vector<16xf32>,
      %parallel_loop3A_185 = arith.index_cast %parallel_loop3A_118 : i32 to index
      %parallel_loop3A_186 = arith.constant 96 : index
      %parallel_loop3A_187 = tpu.vector_load %arg12[%parallel_loop3A_185, %parallel_loop3A_186] {strides = array<i32>} : memref<600x128xf32, #tpu.memory_space<vmem>>, vector<16xf32>,
      %parallel_loop3A_188 = arith.constant 1 : i32
      %parallel_loop3A_189 = arith.index_cast %parallel_loop3A_188 : i32 to index
      %parallel_loop3A_190 = arith.constant 96 : index
      %parallel_loop3A_191 = tpu.vector_load %arg13[%parallel_loop3A_189, %parallel_loop3A_190] {strides = array<i32>} : memref<3x128xf32, #tpu.memory_space<vmem>>, vector<16xf32>,
      %parallel_loop3A_192 = arith.addf %parallel_loop3A_187, %parallel_loop3A_191 : vector<16xf32>
      %parallel_loop3A_193 = arith.index_cast %parallel_loop3A_118 : i32 to index
      %parallel_loop3A_194 = arith.constant 96 : index
      %parallel_loop3A_195 = tpu.vector_load %arg12[%parallel_loop3A_193, %parallel_loop3A_194] {strides = array<i32>} : memref<600x128xf32, #tpu.memory_space<vmem>>, vector<16xf32>,
      tpu.vector_store %arg12[%parallel_loop3A_193, %parallel_loop3A_194], %parallel_loop3A_192 {strides = array<i32>} : memref<600x128xf32, #tpu.memory_space<vmem>>, vector<16xf32>,
      %parallel_loop3A_196 = arith.index_cast %parallel_loop3A_118 : i32 to index
      %parallel_loop3A_197 = arith.constant 112 : index
      %parallel_loop3A_198 = tpu.vector_load %arg12[%parallel_loop3A_196, %parallel_loop3A_197] {strides = array<i32>} : memref<600x128xf32, #tpu.memory_space<vmem>>, vector<16xf32>,
      %parallel_loop3A_199 = arith.constant 1 : i32
      %parallel_loop3A_200 = arith.index_cast %parallel_loop3A_199 : i32 to index
      %parallel_loop3A_201 = arith.constant 112 : index
      %parallel_loop3A_202 = tpu.vector_load %arg13[%parallel_loop3A_200, %parallel_loop3A_201] {strides = array<i32>} : memref<3x128xf32, #tpu.memory_space<vmem>>, vector<16xf32>,
      %parallel_loop3A_203 = arith.addf %parallel_loop3A_198, %parallel_loop3A_202 : vector<16xf32>
      %parallel_loop3A_204 = arith.index_cast %parallel_loop3A_118 : i32 to index
      %parallel_loop3A_205 = arith.constant 112 : index
      %parallel_loop3A_206 = tpu.vector_load %arg12[%parallel_loop3A_204, %parallel_loop3A_205] {strides = array<i32>} : memref<600x128xf32, #tpu.memory_space<vmem>>, vector<16xf32>,
      tpu.vector_store %arg12[%parallel_loop3A_204, %parallel_loop3A_205], %parallel_loop3A_203 {strides = array<i32>} : memref<600x128xf32, #tpu.memory_space<vmem>>, vector<16xf32>,
      %parallel_loop3A_207 = arith.constant 400 : i32
      %parallel_loop3A_208 = arith.addi %parallel_loop3A_207, %parallel_loop3A_26 : i32
      %parallel_loop3A_209 = arith.index_cast %parallel_loop3A_208 : i32 to index
      %parallel_loop3A_210 = arith.constant 0 : index
      %parallel_loop3A_211 = tpu.vector_load %arg12[%parallel_loop3A_209, %parallel_loop3A_210] {strides = array<i32>} : memref<600x128xf32, #tpu.memory_space<vmem>>, vector<16xf32>,
      %parallel_loop3A_212 = arith.constant 2 : i32
      %parallel_loop3A_213 = arith.index_cast %parallel_loop3A_212 : i32 to index
      %parallel_loop3A_214 = arith.constant 0 : index
      %parallel_loop3A_215 = tpu.vector_load %arg13[%parallel_loop3A_213, %parallel_loop3A_214] {strides = array<i32>} : memref<3x128xf32, #tpu.memory_space<vmem>>, vector<16xf32>,
      %parallel_loop3A_216 = arith.addf %parallel_loop3A_211, %parallel_loop3A_215 : vector<16xf32>
      %parallel_loop3A_217 = arith.index_cast %parallel_loop3A_208 : i32 to index
      %parallel_loop3A_218 = arith.constant 0 : index
      %parallel_loop3A_219 = tpu.vector_load %arg12[%parallel_loop3A_217, %parallel_loop3A_218] {strides = array<i32>} : memref<600x128xf32, #tpu.memory_space<vmem>>, vector<16xf32>,
      tpu.vector_store %arg12[%parallel_loop3A_217, %parallel_loop3A_218], %parallel_loop3A_216 {strides = array<i32>} : memref<600x128xf32, #tpu.memory_space<vmem>>, vector<16xf32>,
      %parallel_loop3A_220 = arith.index_cast %parallel_loop3A_208 : i32 to index
      %parallel_loop3A_221 = arith.constant 16 : index
      %parallel_loop3A_222 = tpu.vector_load %arg12[%parallel_loop3A_220, %parallel_loop3A_221] {strides = array<i32>} : memref<600x128xf32, #tpu.memory_space<vmem>>, vector<16xf32>,
      %parallel_loop3A_223 = arith.constant 2 : i32
      %parallel_loop3A_224 = arith.index_cast %parallel_loop3A_223 : i32 to index
      %parallel_loop3A_225 = arith.constant 16 : index
      %parallel_loop3A_226 = tpu.vector_load %arg13[%parallel_loop3A_224, %parallel_loop3A_225] {strides = array<i32>} : memref<3x128xf32, #tpu.memory_space<vmem>>, vector<16xf32>,
      %parallel_loop3A_227 = arith.addf %parallel_loop3A_222, %parallel_loop3A_226 : vector<16xf32>
      %parallel_loop3A_228 = arith.index_cast %parallel_loop3A_208 : i32 to index
      %parallel_loop3A_229 = arith.constant 16 : index
      %parallel_loop3A_230 = tpu.vector_load %arg12[%parallel_loop3A_228, %parallel_loop3A_229] {strides = array<i32>} : memref<600x128xf32, #tpu.memory_space<vmem>>, vector<16xf32>,
      tpu.vector_store %arg12[%parallel_loop3A_228, %parallel_loop3A_229], %parallel_loop3A_227 {strides = array<i32>} : memref<600x128xf32, #tpu.memory_space<vmem>>, vector<16xf32>,
      %parallel_loop3A_231 = arith.index_cast %parallel_loop3A_208 : i32 to index
      %parallel_loop3A_232 = arith.constant 32 : index
      %parallel_loop3A_233 = tpu.vector_load %arg12[%parallel_loop3A_231, %parallel_loop3A_232] {strides = array<i32>} : memref<600x128xf32, #tpu.memory_space<vmem>>, vector<16xf32>,
      %parallel_loop3A_234 = arith.constant 2 : i32
      %parallel_loop3A_235 = arith.index_cast %parallel_loop3A_234 : i32 to index
      %parallel_loop3A_236 = arith.constant 32 : index
      %parallel_loop3A_237 = tpu.vector_load %arg13[%parallel_loop3A_235, %parallel_loop3A_236] {strides = array<i32>} : memref<3x128xf32, #tpu.memory_space<vmem>>, vector<16xf32>,
      %parallel_loop3A_238 = arith.addf %parallel_loop3A_233, %parallel_loop3A_237 : vector<16xf32>
      %parallel_loop3A_239 = arith.index_cast %parallel_loop3A_208 : i32 to index
      %parallel_loop3A_240 = arith.constant 32 : index
      %parallel_loop3A_241 = tpu.vector_load %arg12[%parallel_loop3A_239, %parallel_loop3A_240] {strides = array<i32>} : memref<600x128xf32, #tpu.memory_space<vmem>>, vector<16xf32>,
      tpu.vector_store %arg12[%parallel_loop3A_239, %parallel_loop3A_240], %parallel_loop3A_238 {strides = array<i32>} : memref<600x128xf32, #tpu.memory_space<vmem>>, vector<16xf32>,
      %parallel_loop3A_242 = arith.index_cast %parallel_loop3A_208 : i32 to index
      %parallel_loop3A_243 = arith.constant 48 : index
      %parallel_loop3A_244 = tpu.vector_load %arg12[%parallel_loop3A_242, %parallel_loop3A_243] {strides = array<i32>} : memref<600x128xf32, #tpu.memory_space<vmem>>, vector<16xf32>,
      %parallel_loop3A_245 = arith.constant 2 : i32
      %parallel_loop3A_246 = arith.index_cast %parallel_loop3A_245 : i32 to index
      %parallel_loop3A_247 = arith.constant 48 : index
      %parallel_loop3A_248 = tpu.vector_load %arg13[%parallel_loop3A_246, %parallel_loop3A_247] {strides = array<i32>} : memref<3x128xf32, #tpu.memory_space<vmem>>, vector<16xf32>,
      %parallel_loop3A_249 = arith.addf %parallel_loop3A_244, %parallel_loop3A_248 : vector<16xf32>
      %parallel_loop3A_250 = arith.index_cast %parallel_loop3A_208 : i32 to index
      %parallel_loop3A_251 = arith.constant 48 : index
      %parallel_loop3A_252 = tpu.vector_load %arg12[%parallel_loop3A_250, %parallel_loop3A_251] {strides = array<i32>} : memref<600x128xf32, #tpu.memory_space<vmem>>, vector<16xf32>,
      tpu.vector_store %arg12[%parallel_loop3A_250, %parallel_loop3A_251], %parallel_loop3A_249 {strides = array<i32>} : memref<600x128xf32, #tpu.memory_space<vmem>>, vector<16xf32>,
      %parallel_loop3A_253 = arith.index_cast %parallel_loop3A_208 : i32 to index
      %parallel_loop3A_254 = arith.constant 64 : index
      %parallel_loop3A_255 = tpu.vector_load %arg12[%parallel_loop3A_253, %parallel_loop3A_254] {strides = array<i32>} : memref<600x128xf32, #tpu.memory_space<vmem>>, vector<16xf32>,
      %parallel_loop3A_256 = arith.constant 2 : i32
      %parallel_loop3A_257 = arith.index_cast %parallel_loop3A_256 : i32 to index
      %parallel_loop3A_258 = arith.constant 64 : index
      %parallel_loop3A_259 = tpu.vector_load %arg13[%parallel_loop3A_257, %parallel_loop3A_258] {strides = array<i32>} : memref<3x128xf32, #tpu.memory_space<vmem>>, vector<16xf32>,
      %parallel_loop3A_260 = arith.addf %parallel_loop3A_255, %parallel_loop3A_259 : vector<16xf32>
      %parallel_loop3A_261 = arith.index_cast %parallel_loop3A_208 : i32 to index
      %parallel_loop3A_262 = arith.constant 64 : index
      %parallel_loop3A_263 = tpu.vector_load %arg12[%parallel_loop3A_261, %parallel_loop3A_262] {strides = array<i32>} : memref<600x128xf32, #tpu.memory_space<vmem>>, vector<16xf32>,
      tpu.vector_store %arg12[%parallel_loop3A_261, %parallel_loop3A_262], %parallel_loop3A_260 {strides = array<i32>} : memref<600x128xf32, #tpu.memory_space<vmem>>, vector<16xf32>,
      %parallel_loop3A_264 = arith.index_cast %parallel_loop3A_208 : i32 to index
      %parallel_loop3A_265 = arith.constant 80 : index
      %parallel_loop3A_266 = tpu.vector_load %arg12[%parallel_loop3A_264, %parallel_loop3A_265] {strides = array<i32>} : memref<600x128xf32, #tpu.memory_space<vmem>>, vector<16xf32>,
      %parallel_loop3A_267 = arith.constant 2 : i32
      %parallel_loop3A_268 = arith.index_cast %parallel_loop3A_267 : i32 to index
      %parallel_loop3A_269 = arith.constant 80 : index
      %parallel_loop3A_270 = tpu.vector_load %arg13[%parallel_loop3A_268, %parallel_loop3A_269] {strides = array<i32>} : memref<3x128xf32, #tpu.memory_space<vmem>>, vector<16xf32>,
      %parallel_loop3A_271 = arith.addf %parallel_loop3A_266, %parallel_loop3A_270 : vector<16xf32>
      %parallel_loop3A_272 = arith.index_cast %parallel_loop3A_208 : i32 to index
      %parallel_loop3A_273 = arith.constant 80 : index
      %parallel_loop3A_274 = tpu.vector_load %arg12[%parallel_loop3A_272, %parallel_loop3A_273] {strides = array<i32>} : memref<600x128xf32, #tpu.memory_space<vmem>>, vector<16xf32>,
      tpu.vector_store %arg12[%parallel_loop3A_272, %parallel_loop3A_273], %parallel_loop3A_271 {strides = array<i32>} : memref<600x128xf32, #tpu.memory_space<vmem>>, vector<16xf32>,
      %parallel_loop3A_275 = arith.index_cast %parallel_loop3A_208 : i32 to index
      %parallel_loop3A_276 = arith.constant 96 : index
      %parallel_loop3A_277 = tpu.vector_load %arg12[%parallel_loop3A_275, %parallel_loop3A_276] {strides = array<i32>} : memref<600x128xf32, #tpu.memory_space<vmem>>, vector<16xf32>,
      %parallel_loop3A_278 = arith.constant 2 : i32
      %parallel_loop3A_279 = arith.index_cast %parallel_loop3A_278 : i32 to index
      %parallel_loop3A_280 = arith.constant 96 : index
      %parallel_loop3A_281 = tpu.vector_load %arg13[%parallel_loop3A_279, %parallel_loop3A_280] {strides = array<i32>} : memref<3x128xf32, #tpu.memory_space<vmem>>, vector<16xf32>,
      %parallel_loop3A_282 = arith.addf %parallel_loop3A_277, %parallel_loop3A_281 : vector<16xf32>
      %parallel_loop3A_283 = arith.index_cast %parallel_loop3A_208 : i32 to index
      %parallel_loop3A_284 = arith.constant 96 : index
      %parallel_loop3A_285 = tpu.vector_load %arg12[%parallel_loop3A_283, %parallel_loop3A_284] {strides = array<i32>} : memref<600x128xf32, #tpu.memory_space<vmem>>, vector<16xf32>,
      tpu.vector_store %arg12[%parallel_loop3A_283, %parallel_loop3A_284], %parallel_loop3A_282 {strides = array<i32>} : memref<600x128xf32, #tpu.memory_space<vmem>>, vector<16xf32>,
      %parallel_loop3A_286 = arith.index_cast %parallel_loop3A_208 : i32 to index
      %parallel_loop3A_287 = arith.constant 112 : index
      %parallel_loop3A_288 = tpu.vector_load %arg12[%parallel_loop3A_286, %parallel_loop3A_287] {strides = array<i32>} : memref<600x128xf32, #tpu.memory_space<vmem>>, vector<16xf32>,
      %parallel_loop3A_289 = arith.constant 2 : i32
      %parallel_loop3A_290 = arith.index_cast %parallel_loop3A_289 : i32 to index
      %parallel_loop3A_291 = arith.constant 112 : index
      %parallel_loop3A_292 = tpu.vector_load %arg13[%parallel_loop3A_290, %parallel_loop3A_291] {strides = array<i32>} : memref<3x128xf32, #tpu.memory_space<vmem>>, vector<16xf32>,
      %parallel_loop3A_293 = arith.addf %parallel_loop3A_288, %parallel_loop3A_292 : vector<16xf32>
      %parallel_loop3A_294 = arith.index_cast %parallel_loop3A_208 : i32 to index
      %parallel_loop3A_295 = arith.constant 112 : index
      %parallel_loop3A_296 = tpu.vector_load %arg12[%parallel_loop3A_294, %parallel_loop3A_295] {strides = array<i32>} : memref<600x128xf32, #tpu.memory_space<vmem>>, vector<16xf32>,
      tpu.vector_store %arg12[%parallel_loop3A_294, %parallel_loop3A_295], %parallel_loop3A_293 {strides = array<i32>} : memref<600x128xf32, #tpu.memory_space<vmem>>, vector<16xf32>,
    } {sc.loop_unroll_factor = 1 : i64, sc.parallel_access}
    %iota3A = tpu.iota {dimensions = array<i32: 0>} : vector<16xi32>
    %dma_start3A = arith.constant 0 : i32
    %dma_start3A_5 = tpu.memref_slice %arg8[%dma_start3A] : memref<6400xi32, #tpu.memory_space<vmem>> -> memref<128xi32, #tpu.memory_space<vmem>>
    %dma_start3A_6 = arith.constant 0 : i32
    %dma_start3A_7 = arith.constant 0 : i32
    %dma_start3A_8 = tpu.memref_slice %arg4[%dma_start3A_6, %dma_start3A_7] : memref<100000x128xf32, #tpu.memory_space<hbm>> -> memref<100000x128xf32, #tpu.memory_space<hbm>>
    tpu.enqueue_indirect_dma source(%dma_start3A_8 : memref<100000x128xf32, #tpu.memory_space<hbm>>) target(%arg10 : memref<128x128xf32, #tpu.memory_space<vmem>>) offsets(%dma_start3A_5 : memref<128xi32, #tpu.memory_space<vmem>>) semaphore(%arg14 : memref<!tpu.dma_semaphore, #tpu.memory_space<semaphore_mem>>)
    %scan3A = arith.constant 0 : i32
    %scan3A_9 = arith.constant 0 : i32
    %scan3A_10 = arith.constant 25 : i32
    %scan3A_11 = arith.addi %scan3A_9, %scan3A_10 : i32
    %scan3A_12 = arith.constant 1 : i32
    %scan3A_13 = scf.for %scan3A_26 = %scan3A_9 to %scan3A_11 step %scan3A_12 iter_args(%scan3A_27 = %scan3A) -> (i32)  : i32 {
      %mul3A_28 = arith.constant 2 : i32
      %mul3A_29 = arith.muli %scan3A_26, %mul3A_28 : i32
      %add3A_30 = arith.constant 0 : i32
      %add3A_31 = arith.addi %mul3A_29, %add3A_30 : i32
      %mul3A_32 = arith.constant 128 : i32
      %mul3A_33 = arith.muli %add3A_31, %mul3A_32 : i32
      %add3A_34 = arith.addi %mul3A_2, %mul3A_33 : i32
      %add3A_35 = arith.constant 1 : i32
      %add3A_36 = arith.addi %add3A_31, %add3A_35 : i32
      %lt3A = arith.constant 50 : i32
      %lt3A_37 = arith.cmpi slt, %add3A_36, %lt3A : i32
      %convert_element_type3A = arith.extui %lt3A_37 : i1 to i32
      %cond3A = arith.constant 0 : i32
      %cond3A_38 = arith.cmpi ne, %convert_element_type3A, %cond3A : i32
      scf.if %cond3A_38 {
        %ge3A = arith.constant 1 : i32
        %ge3A_334 = arith.cmpi sge, %add3A_31, %ge3A : i32
        %convert_element_type3A_335 = arith.extui %ge3A_334 : i1 to i32
        %cond3A_336 = arith.constant 0 : i32
        %cond3A_337 = arith.cmpi ne, %convert_element_type3A_335, %cond3A_336 : i32
        scf.if %cond3A_337 {
          %dma_wait3A_346 = arith.constant 0 : i32
          %dma_wait3A_347 = arith.constant 0 : i32
          %dma_wait3A_348 = tpu.memref_slice %arg7[%dma_wait3A_346, %dma_wait3A_347] : memref<204800x128xf32, #tpu.memory_space<hbm>> -> memref<128x128xf32, #tpu.memory_space<hbm>>
          %dma_wait3A_349 = arith.constant 0 : i32
          %dma_wait3A_350 = arith.constant 0 : i32
          %dma_wait3A_351 = tpu.memref_slice %arg7[%dma_wait3A_349, %dma_wait3A_350] : memref<204800x128xf32, #tpu.memory_space<hbm>> -> memref<128x128xf32, #tpu.memory_space<hbm>>
          tpu.wait_dma2 semaphore(%arg17 : memref<!tpu.dma_semaphore, #tpu.memory_space<semaphore_mem>>) src(%dma_wait3A_351 : memref<128x128xf32, #tpu.memory_space<hbm>>) dst(%arg10 : memref<128x128xf32, #tpu.memory_space<vmem>>)
        } else {
        }
        %add3A_338 = arith.constant 1 : i32
        %add3A_339 = arith.addi %add3A_31, %add3A_338 : i32
        %mul3A_340 = arith.constant 128 : i32
        %mul3A_341 = arith.muli %add3A_339, %mul3A_340 : i32
        %dma_start3A_342 = tpu.memref_slice %arg8[%mul3A_341] : memref<6400xi32, #tpu.memory_space<vmem>> -> memref<128xi32, #tpu.memory_space<vmem>>
        %dma_start3A_343 = arith.constant 0 : i32
        %dma_start3A_344 = arith.constant 0 : i32
        %dma_start3A_345 = tpu.memref_slice %arg4[%dma_start3A_343, %dma_start3A_344] : memref<100000x128xf32, #tpu.memory_space<hbm>> -> memref<100000x128xf32, #tpu.memory_space<hbm>>
        tpu.enqueue_indirect_dma source(%dma_start3A_345 : memref<100000x128xf32, #tpu.memory_space<hbm>>) target(%arg11 : memref<128x128xf32, #tpu.memory_space<vmem>>) offsets(%dma_start3A_342 : memref<128xi32, #tpu.memory_space<vmem>>) semaphore(%arg15 : memref<!tpu.dma_semaphore, #tpu.memory_space<semaphore_mem>>)
      } else {
      }
      %add3A_39 = arith.constant 0 : i32
      %add3A_40 = vector.broadcast %add3A_39 : i32 to vector<16xi32>
      %add3A_41 = arith.addi %iota3A, %add3A_40 : vector<16xi32>
      %add3A_42 = vector.broadcast %add3A_34 : i32 to vector<16xi32>
      %add3A_43 = arith.addi %add3A_41, %add3A_42 : vector<16xi32>
      %rem3A = arith.constant 200 : i32
      %rem3A_44 = vector.broadcast %rem3A : i32 to vector<16xi32>
      %rem3A_45 = arith.remsi %add3A_43, %rem3A_44 : vector<16xi32>
      %add3A_46 = arith.constant 0 : i32
      %add3A_47 = arith.addi %mul3A_33, %add3A_46 : i32
      %get3A = arith.index_cast %add3A_47 : i32 to index
      %get3A_48 = tpu.vector_load %arg9[%get3A] {strides = array<i32>} : memref<6400xi32, #tpu.memory_space<vmem>>, vector<16xi32>,
      %mul3A_49 = arith.constant 200 : i32
      %mul3A_50 = vector.broadcast %mul3A_49 : i32 to vector<16xi32>
      %mul3A_51 = arith.muli %get3A_48, %mul3A_50 : vector<16xi32>
      %add3A_52 = arith.addi %mul3A_51, %rem3A_45 : vector<16xi32>
      %add3A_53 = arith.constant 16 : i32
      %add3A_54 = vector.broadcast %add3A_53 : i32 to vector<16xi32>
      %add3A_55 = arith.addi %iota3A, %add3A_54 : vector<16xi32>
      %add3A_56 = vector.broadcast %add3A_34 : i32 to vector<16xi32>
      %add3A_57 = arith.addi %add3A_55, %add3A_56 : vector<16xi32>
      %rem3A_58 = arith.constant 200 : i32
      %rem3A_59 = vector.broadcast %rem3A_58 : i32 to vector<16xi32>
      %rem3A_60 = arith.remsi %add3A_57, %rem3A_59 : vector<16xi32>
      %add3A_61 = arith.constant 16 : i32
      %add3A_62 = arith.addi %mul3A_33, %add3A_61 : i32
      %get3A_63 = arith.index_cast %add3A_62 : i32 to index
      %get3A_64 = tpu.vector_load %arg9[%get3A_63] {strides = array<i32>} : memref<6400xi32, #tpu.memory_space<vmem>>, vector<16xi32>,
      %mul3A_65 = arith.constant 200 : i32
      %mul3A_66 = vector.broadcast %mul3A_65 : i32 to vector<16xi32>
      %mul3A_67 = arith.muli %get3A_64, %mul3A_66 : vector<16xi32>
      %add3A_68 = arith.addi %mul3A_67, %rem3A_60 : vector<16xi32>
      %add3A_69 = arith.constant 32 : i32
      %add3A_70 = vector.broadcast %add3A_69 : i32 to vector<16xi32>
      %add3A_71 = arith.addi %iota3A, %add3A_70 : vector<16xi32>
      %add3A_72 = vector.broadcast %add3A_34 : i32 to vector<16xi32>
      %add3A_73 = arith.addi %add3A_71, %add3A_72 : vector<16xi32>
      %rem3A_74 = arith.constant 200 : i32
      %rem3A_75 = vector.broadcast %rem3A_74 : i32 to vector<16xi32>
      %rem3A_76 = arith.remsi %add3A_73, %rem3A_75 : vector<16xi32>
      %add3A_77 = arith.constant 32 : i32
      %add3A_78 = arith.addi %mul3A_33, %add3A_77 : i32
      %get3A_79 = arith.index_cast %add3A_78 : i32 to index
      %get3A_80 = tpu.vector_load %arg9[%get3A_79] {strides = array<i32>} : memref<6400xi32, #tpu.memory_space<vmem>>, vector<16xi32>,
      %mul3A_81 = arith.constant 200 : i32
      %mul3A_82 = vector.broadcast %mul3A_81 : i32 to vector<16xi32>
      %mul3A_83 = arith.muli %get3A_80, %mul3A_82 : vector<16xi32>
      %add3A_84 = arith.addi %mul3A_83, %rem3A_76 : vector<16xi32>
      %add3A_85 = arith.constant 48 : i32
      %add3A_86 = vector.broadcast %add3A_85 : i32 to vector<16xi32>
      %add3A_87 = arith.addi %iota3A, %add3A_86 : vector<16xi32>
      %add3A_88 = vector.broadcast %add3A_34 : i32 to vector<16xi32>
      %add3A_89 = arith.addi %add3A_87, %add3A_88 : vector<16xi32>
      %rem3A_90 = arith.constant 200 : i32
      %rem3A_91 = vector.broadcast %rem3A_90 : i32 to vector<16xi32>
      %rem3A_92 = arith.remsi %add3A_89, %rem3A_91 : vector<16xi32>
      %add3A_93 = arith.constant 48 : i32
      %add3A_94 = arith.addi %mul3A_33, %add3A_93 : i32
      %get3A_95 = arith.index_cast %add3A_94 : i32 to index
      %get3A_96 = tpu.vector_load %arg9[%get3A_95] {strides = array<i32>} : memref<6400xi32, #tpu.memory_space<vmem>>, vector<16xi32>,
      %mul3A_97 = arith.constant 200 : i32
      %mul3A_98 = vector.broadcast %mul3A_97 : i32 to vector<16xi32>
      %mul3A_99 = arith.muli %get3A_96, %mul3A_98 : vector<16xi32>
      %add3A_100 = arith.addi %mul3A_99, %rem3A_92 : vector<16xi32>
      %add3A_101 = arith.constant 64 : i32
      %add3A_102 = vector.broadcast %add3A_101 : i32 to vector<16xi32>
      %add3A_103 = arith.addi %iota3A, %add3A_102 : vector<16xi32>
      %add3A_104 = vector.broadcast %add3A_34 : i32 to vector<16xi32>
      %add3A_105 = arith.addi %add3A_103, %add3A_104 : vector<16xi32>
      %rem3A_106 = arith.constant 200 : i32
      %rem3A_107 = vector.broadcast %rem3A_106 : i32 to vector<16xi32>
      %rem3A_108 = arith.remsi %add3A_105, %rem3A_107 : vector<16xi32>
      %add3A_109 = arith.constant 64 : i32
      %add3A_110 = arith.addi %mul3A_33, %add3A_109 : i32
      %get3A_111 = arith.index_cast %add3A_110 : i32 to index
      %get3A_112 = tpu.vector_load %arg9[%get3A_111] {strides = array<i32>} : memref<6400xi32, #tpu.memory_space<vmem>>, vector<16xi32>,
      %mul3A_113 = arith.constant 200 : i32
      %mul3A_114 = vector.broadcast %mul3A_113 : i32 to vector<16xi32>
      %mul3A_115 = arith.muli %get3A_112, %mul3A_114 : vector<16xi32>
      %add3A_116 = arith.addi %mul3A_115, %rem3A_108 : vector<16xi32>
      %add3A_117 = arith.constant 80 : i32
      %add3A_118 = vector.broadcast %add3A_117 : i32 to vector<16xi32>
      %add3A_119 = arith.addi %iota3A, %add3A_118 : vector<16xi32>
      %add3A_120 = vector.broadcast %add3A_34 : i32 to vector<16xi32>
      %add3A_121 = arith.addi %add3A_119, %add3A_120 : vector<16xi32>
      %rem3A_122 = arith.constant 200 : i32
      %rem3A_123 = vector.broadcast %rem3A_122 : i32 to vector<16xi32>
      %rem3A_124 = arith.remsi %add3A_121, %rem3A_123 : vector<16xi32>
      %add3A_125 = arith.constant 80 : i32
      %add3A_126 = arith.addi %mul3A_33, %add3A_125 : i32
      %get3A_127 = arith.index_cast %add3A_126 : i32 to index
      %get3A_128 = tpu.vector_load %arg9[%get3A_127] {strides = array<i32>} : memref<6400xi32, #tpu.memory_space<vmem>>, vector<16xi32>,
      %mul3A_129 = arith.constant 200 : i32
      %mul3A_130 = vector.broadcast %mul3A_129 : i32 to vector<16xi32>
      %mul3A_131 = arith.muli %get3A_128, %mul3A_130 : vector<16xi32>
      %add3A_132 = arith.addi %mul3A_131, %rem3A_124 : vector<16xi32>
      %add3A_133 = arith.constant 96 : i32
      %add3A_134 = vector.broadcast %add3A_133 : i32 to vector<16xi32>
      %add3A_135 = arith.addi %iota3A, %add3A_134 : vector<16xi32>
      %add3A_136 = vector.broadcast %add3A_34 : i32 to vector<16xi32>
      %add3A_137 = arith.addi %add3A_135, %add3A_136 : vector<16xi32>
      %rem3A_138 = arith.constant 200 : i32
      %rem3A_139 = vector.broadcast %rem3A_138 : i32 to vector<16xi32>
      %rem3A_140 = arith.remsi %add3A_137, %rem3A_139 : vector<16xi32>
      %add3A_141 = arith.constant 96 : i32
      %add3A_142 = arith.addi %mul3A_33, %add3A_141 : i32
      %get3A_143 = arith.index_cast %add3A_142 : i32 to index
      %get3A_144 = tpu.vector_load %arg9[%get3A_143] {strides = array<i32>} : memref<6400xi32, #tpu.memory_space<vmem>>, vector<16xi32>,
      %mul3A_145 = arith.constant 200 : i32
      %mul3A_146 = vector.broadcast %mul3A_145 : i32 to vector<16xi32>
      %mul3A_147 = arith.muli %get3A_144, %mul3A_146 : vector<16xi32>
      %add3A_148 = arith.addi %mul3A_147, %rem3A_140 : vector<16xi32>
      %add3A_149 = arith.constant 112 : i32
      %add3A_150 = vector.broadcast %add3A_149 : i32 to vector<16xi32>
      %add3A_151 = arith.addi %iota3A, %add3A_150 : vector<16xi32>
      %add3A_152 = vector.broadcast %add3A_34 : i32 to vector<16xi32>
      %add3A_153 = arith.addi %add3A_151, %add3A_152 : vector<16xi32>
      %rem3A_154 = arith.constant 200 : i32
      %rem3A_155 = vector.broadcast %rem3A_154 : i32 to vector<16xi32>
      %rem3A_156 = arith.remsi %add3A_153, %rem3A_155 : vector<16xi32>
      %add3A_157 = arith.constant 112 : i32
      %add3A_158 = arith.addi %mul3A_33, %add3A_157 : i32
      %get3A_159 = arith.index_cast %add3A_158 : i32 to index
      %get3A_160 = tpu.vector_load %arg9[%get3A_159] {strides = array<i32>} : memref<6400xi32, #tpu.memory_space<vmem>>, vector<16xi32>,
      %mul3A_161 = arith.constant 200 : i32
      %mul3A_162 = vector.broadcast %mul3A_161 : i32 to vector<16xi32>
      %mul3A_163 = arith.muli %get3A_160, %mul3A_162 : vector<16xi32>
      %add3A_164 = arith.addi %mul3A_163, %rem3A_156 : vector<16xi32>
      %dma_wait3A_165 = arith.constant 0 : i32
      %dma_wait3A_166 = arith.constant 0 : i32
      %dma_wait3A_167 = tpu.memref_slice %arg7[%dma_wait3A_165, %dma_wait3A_166] : memref<204800x128xf32, #tpu.memory_space<hbm>> -> memref<128x128xf32, #tpu.memory_space<hbm>>
      %dma_wait3A_168 = arith.constant 0 : i32
      %dma_wait3A_169 = arith.constant 0 : i32
      %dma_wait3A_170 = tpu.memref_slice %arg7[%dma_wait3A_168, %dma_wait3A_169] : memref<204800x128xf32, #tpu.memory_space<hbm>> -> memref<128x128xf32, #tpu.memory_space<hbm>>
      tpu.wait_dma2 semaphore(%arg14 : memref<!tpu.dma_semaphore, #tpu.memory_space<semaphore_mem>>) src(%dma_wait3A_170 : memref<128x128xf32, #tpu.memory_space<hbm>>) dst(%arg10 : memref<128x128xf32, #tpu.memory_space<vmem>>)
      %parallel_loop3A_171 = arith.constant 0 : i32
      %parallel_loop3A_172 = arith.constant 128 : i32
      %parallel_loop3A_173 = arith.constant 1 : i32
      scf.for %parallel_loop3A_334 = %parallel_loop3A_171 to %parallel_loop3A_172 step %parallel_loop3A_173  : i32 {
        %parallel_loop3A_335 = vector.broadcast %parallel_loop3A_334 : i32 to vector<16xi32>
        %parallel_loop3A_336 = arith.addi %iota3A, %parallel_loop3A_335 : vector<16xi32>
        %parallel_loop3A_337 = arith.constant 127 : i32
        %parallel_loop3A_338 = vector.broadcast %parallel_loop3A_337 : i32 to vector<16xi32>
        %parallel_loop3A_339 = arith.andi %parallel_loop3A_336, %parallel_loop3A_338 : vector<16xi32>
        %parallel_loop3A_340 = tpu.vector_load_idx %arg12[%add3A_52, %parallel_loop3A_339] : memref<600x128xf32, #tpu.memory_space<vmem>>[vector<16xi32>, vector<16xi32>], vector<16xf32>,
        tpu.vector_store_idx %arg10[%add3A_41, %parallel_loop3A_339], %parallel_loop3A_340 {add = true} : memref<128x128xf32, #tpu.memory_space<vmem>>[vector<16xi32>, vector<16xi32>], vector<16xf32>,
        %parallel_loop3A_341 = tpu.vector_load_idx %arg12[%add3A_68, %parallel_loop3A_339] : memref<600x128xf32, #tpu.memory_space<vmem>>[vector<16xi32>, vector<16xi32>], vector<16xf32>,
        tpu.vector_store_idx %arg10[%add3A_55, %parallel_loop3A_339], %parallel_loop3A_341 {add = true} : memref<128x128xf32, #tpu.memory_space<vmem>>[vector<16xi32>, vector<16xi32>], vector<16xf32>,
        %parallel_loop3A_342 = tpu.vector_load_idx %arg12[%add3A_84, %parallel_loop3A_339] : memref<600x128xf32, #tpu.memory_space<vmem>>[vector<16xi32>, vector<16xi32>], vector<16xf32>,
        tpu.vector_store_idx %arg10[%add3A_71, %parallel_loop3A_339], %parallel_loop3A_342 {add = true} : memref<128x128xf32, #tpu.memory_space<vmem>>[vector<16xi32>, vector<16xi32>], vector<16xf32>,
        %parallel_loop3A_343 = tpu.vector_load_idx %arg12[%add3A_100, %parallel_loop3A_339] : memref<600x128xf32, #tpu.memory_space<vmem>>[vector<16xi32>, vector<16xi32>], vector<16xf32>,
        tpu.vector_store_idx %arg10[%add3A_87, %parallel_loop3A_339], %parallel_loop3A_343 {add = true} : memref<128x128xf32, #tpu.memory_space<vmem>>[vector<16xi32>, vector<16xi32>], vector<16xf32>,
        %parallel_loop3A_344 = tpu.vector_load_idx %arg12[%add3A_116, %parallel_loop3A_339] : memref<600x128xf32, #tpu.memory_space<vmem>>[vector<16xi32>, vector<16xi32>], vector<16xf32>,
        tpu.vector_store_idx %arg10[%add3A_103, %parallel_loop3A_339], %parallel_loop3A_344 {add = true} : memref<128x128xf32, #tpu.memory_space<vmem>>[vector<16xi32>, vector<16xi32>], vector<16xf32>,
        %parallel_loop3A_345 = tpu.vector_load_idx %arg12[%add3A_132, %parallel_loop3A_339] : memref<600x128xf32, #tpu.memory_space<vmem>>[vector<16xi32>, vector<16xi32>], vector<16xf32>,
        tpu.vector_store_idx %arg10[%add3A_119, %parallel_loop3A_339], %parallel_loop3A_345 {add = true} : memref<128x128xf32, #tpu.memory_space<vmem>>[vector<16xi32>, vector<16xi32>], vector<16xf32>,
        %parallel_loop3A_346 = tpu.vector_load_idx %arg12[%add3A_148, %parallel_loop3A_339] : memref<600x128xf32, #tpu.memory_space<vmem>>[vector<16xi32>, vector<16xi32>], vector<16xf32>,
        tpu.vector_store_idx %arg10[%add3A_135, %parallel_loop3A_339], %parallel_loop3A_346 {add = true} : memref<128x128xf32, #tpu.memory_space<vmem>>[vector<16xi32>, vector<16xi32>], vector<16xf32>,
        %parallel_loop3A_347 = tpu.vector_load_idx %arg12[%add3A_164, %parallel_loop3A_339] : memref<600x128xf32, #tpu.memory_space<vmem>>[vector<16xi32>, vector<16xi32>], vector<16xf32>,
        tpu.vector_store_idx %arg10[%add3A_151, %parallel_loop3A_339], %parallel_loop3A_347 {add = true} : memref<128x128xf32, #tpu.memory_space<vmem>>[vector<16xi32>, vector<16xi32>], vector<16xf32>,
      } {sc.loop_unroll_factor = 8 : i64, sc.parallel_access}
      %dma_start3A_174 = arith.constant 0 : i32
      %dma_start3A_175 = tpu.memref_slice %arg7[%add3A_34, %dma_start3A_174] : memref<204800x128xf32, #tpu.memory_space<hbm>> -> memref<128x128xf32, #tpu.memory_space<hbm>>
      %dma_start3A_176 = arith.constant 0 : i32
      %dma_start3A_177 = tpu.memref_slice %arg7[%add3A_34, %dma_start3A_176] : memref<204800x128xf32, #tpu.memory_space<hbm>> -> memref<128x128xf32, #tpu.memory_space<hbm>>
      tpu.enqueue_dma source(%arg10 : memref<128x128xf32, #tpu.memory_space<vmem>>) target(%dma_start3A_177 : memref<128x128xf32, #tpu.memory_space<hbm>>) target_semaphore(%arg16 : memref<!tpu.dma_semaphore, #tpu.memory_space<semaphore_mem>>)
      %mul3A_178 = arith.constant 2 : i32
      %mul3A_179 = arith.muli %scan3A_26, %mul3A_178 : i32
      %add3A_180 = arith.constant 1 : i32
      %add3A_181 = arith.addi %mul3A_179, %add3A_180 : i32
      %mul3A_182 = arith.constant 128 : i32
      %mul3A_183 = arith.muli %add3A_181, %mul3A_182 : i32
      %add3A_184 = arith.addi %mul3A_2, %mul3A_183 : i32
      %add3A_185 = arith.constant 1 : i32
      %add3A_186 = arith.addi %add3A_181, %add3A_185 : i32
      %lt3A_187 = arith.constant 50 : i32
      %lt3A_188 = arith.cmpi slt, %add3A_186, %lt3A_187 : i32
      %convert_element_type3A_189 = arith.extui %lt3A_188 : i1 to i32
      %cond3A_190 = arith.constant 0 : i32
      %cond3A_191 = arith.cmpi ne, %convert_element_type3A_189, %cond3A_190 : i32
      scf.if %cond3A_191 {
        %ge3A = arith.constant 1 : i32
        %ge3A_334 = arith.cmpi sge, %add3A_181, %ge3A : i32
        %convert_element_type3A_335 = arith.extui %ge3A_334 : i1 to i32
        %cond3A_336 = arith.constant 0 : i32
        %cond3A_337 = arith.cmpi ne, %convert_element_type3A_335, %cond3A_336 : i32
        scf.if %cond3A_337 {
          %dma_wait3A_346 = arith.constant 0 : i32
          %dma_wait3A_347 = arith.constant 0 : i32
          %dma_wait3A_348 = tpu.memref_slice %arg7[%dma_wait3A_346, %dma_wait3A_347] : memref<204800x128xf32, #tpu.memory_space<hbm>> -> memref<128x128xf32, #tpu.memory_space<hbm>>
          %dma_wait3A_349 = arith.constant 0 : i32
          %dma_wait3A_350 = arith.constant 0 : i32
          %dma_wait3A_351 = tpu.memref_slice %arg7[%dma_wait3A_349, %dma_wait3A_350] : memref<204800x128xf32, #tpu.memory_space<hbm>> -> memref<128x128xf32, #tpu.memory_space<hbm>>
          tpu.wait_dma2 semaphore(%arg16 : memref<!tpu.dma_semaphore, #tpu.memory_space<semaphore_mem>>) src(%dma_wait3A_351 : memref<128x128xf32, #tpu.memory_space<hbm>>) dst(%arg10 : memref<128x128xf32, #tpu.memory_space<vmem>>)
        } else {
        }
        %add3A_338 = arith.constant 1 : i32
        %add3A_339 = arith.addi %add3A_181, %add3A_338 : i32
        %mul3A_340 = arith.constant 128 : i32
        %mul3A_341 = arith.muli %add3A_339, %mul3A_340 : i32
        %dma_start3A_342 = tpu.memref_slice %arg8[%mul3A_341] : memref<6400xi32, #tpu.memory_space<vmem>> -> memref<128xi32, #tpu.memory_space<vmem>>
        %dma_start3A_343 = arith.constant 0 : i32
        %dma_start3A_344 = arith.constant 0 : i32
        %dma_start3A_345 = tpu.memref_slice %arg4[%dma_start3A_343, %dma_start3A_344] : memref<100000x128xf32, #tpu.memory_space<hbm>> -> memref<100000x128xf32, #tpu.memory_space<hbm>>
        tpu.enqueue_indirect_dma source(%dma_start3A_345 : memref<100000x128xf32, #tpu.memory_space<hbm>>) target(%arg10 : memref<128x128xf32, #tpu.memory_space<vmem>>) offsets(%dma_start3A_342 : memref<128xi32, #tpu.memory_space<vmem>>) semaphore(%arg14 : memref<!tpu.dma_semaphore, #tpu.memory_space<semaphore_mem>>)
      } else {
      }
      %add3A_192 = arith.constant 0 : i32
      %add3A_193 = vector.broadcast %add3A_192 : i32 to vector<16xi32>
      %add3A_194 = arith.addi %iota3A, %add3A_193 : vector<16xi32>
      %add3A_195 = vector.broadcast %add3A_184 : i32 to vector<16xi32>
      %add3A_196 = arith.addi %add3A_194, %add3A_195 : vector<16xi32>
      %rem3A_197 = arith.constant 200 : i32
      %rem3A_198 = vector.broadcast %rem3A_197 : i32 to vector<16xi32>
      %rem3A_199 = arith.remsi %add3A_196, %rem3A_198 : vector<16xi32>
      %add3A_200 = arith.constant 0 : i32
      %add3A_201 = arith.addi %mul3A_183, %add3A_200 : i32
      %get3A_202 = arith.index_cast %add3A_201 : i32 to index
      %get3A_203 = tpu.vector_load %arg9[%get3A_202] {strides = array<i32>} : memref<6400xi32, #tpu.memory_space<vmem>>, vector<16xi32>,
      %mul3A_204 = arith.constant 200 : i32
      %mul3A_205 = vector.broadcast %mul3A_204 : i32 to vector<16xi32>
      %mul3A_206 = arith.muli %get3A_203, %mul3A_205 : vector<16xi32>
      %add3A_207 = arith.addi %mul3A_206, %rem3A_199 : vector<16xi32>
      %add3A_208 = arith.constant 16 : i32
      %add3A_209 = vector.broadcast %add3A_208 : i32 to vector<16xi32>
      %add3A_210 = arith.addi %iota3A, %add3A_209 : vector<16xi32>
      %add3A_211 = vector.broadcast %add3A_184 : i32 to vector<16xi32>
      %add3A_212 = arith.addi %add3A_210, %add3A_211 : vector<16xi32>
      %rem3A_213 = arith.constant 200 : i32
      %rem3A_214 = vector.broadcast %rem3A_213 : i32 to vector<16xi32>
      %rem3A_215 = arith.remsi %add3A_212, %rem3A_214 : vector<16xi32>
      %add3A_216 = arith.constant 16 : i32
      %add3A_217 = arith.addi %mul3A_183, %add3A_216 : i32
      %get3A_218 = arith.index_cast %add3A_217 : i32 to index
      %get3A_219 = tpu.vector_load %arg9[%get3A_218] {strides = array<i32>} : memref<6400xi32, #tpu.memory_space<vmem>>, vector<16xi32>,
      %mul3A_220 = arith.constant 200 : i32
      %mul3A_221 = vector.broadcast %mul3A_220 : i32 to vector<16xi32>
      %mul3A_222 = arith.muli %get3A_219, %mul3A_221 : vector<16xi32>
      %add3A_223 = arith.addi %mul3A_222, %rem3A_215 : vector<16xi32>
      %add3A_224 = arith.constant 32 : i32
      %add3A_225 = vector.broadcast %add3A_224 : i32 to vector<16xi32>
      %add3A_226 = arith.addi %iota3A, %add3A_225 : vector<16xi32>
      %add3A_227 = vector.broadcast %add3A_184 : i32 to vector<16xi32>
      %add3A_228 = arith.addi %add3A_226, %add3A_227 : vector<16xi32>
      %rem3A_229 = arith.constant 200 : i32
      %rem3A_230 = vector.broadcast %rem3A_229 : i32 to vector<16xi32>
      %rem3A_231 = arith.remsi %add3A_228, %rem3A_230 : vector<16xi32>
      %add3A_232 = arith.constant 32 : i32
      %add3A_233 = arith.addi %mul3A_183, %add3A_232 : i32
      %get3A_234 = arith.index_cast %add3A_233 : i32 to index
      %get3A_235 = tpu.vector_load %arg9[%get3A_234] {strides = array<i32>} : memref<6400xi32, #tpu.memory_space<vmem>>, vector<16xi32>,
      %mul3A_236 = arith.constant 200 : i32
      %mul3A_237 = vector.broadcast %mul3A_236 : i32 to vector<16xi32>
      %mul3A_238 = arith.muli %get3A_235, %mul3A_237 : vector<16xi32>
      %add3A_239 = arith.addi %mul3A_238, %rem3A_231 : vector<16xi32>
      %add3A_240 = arith.constant 48 : i32
      %add3A_241 = vector.broadcast %add3A_240 : i32 to vector<16xi32>
      %add3A_242 = arith.addi %iota3A, %add3A_241 : vector<16xi32>
      %add3A_243 = vector.broadcast %add3A_184 : i32 to vector<16xi32>
      %add3A_244 = arith.addi %add3A_242, %add3A_243 : vector<16xi32>
      %rem3A_245 = arith.constant 200 : i32
      %rem3A_246 = vector.broadcast %rem3A_245 : i32 to vector<16xi32>
      %rem3A_247 = arith.remsi %add3A_244, %rem3A_246 : vector<16xi32>
      %add3A_248 = arith.constant 48 : i32
      %add3A_249 = arith.addi %mul3A_183, %add3A_248 : i32
      %get3A_250 = arith.index_cast %add3A_249 : i32 to index
      %get3A_251 = tpu.vector_load %arg9[%get3A_250] {strides = array<i32>} : memref<6400xi32, #tpu.memory_space<vmem>>, vector<16xi32>,
      %mul3A_252 = arith.constant 200 : i32
      %mul3A_253 = vector.broadcast %mul3A_252 : i32 to vector<16xi32>
      %mul3A_254 = arith.muli %get3A_251, %mul3A_253 : vector<16xi32>
      %add3A_255 = arith.addi %mul3A_254, %rem3A_247 : vector<16xi32>
      %add3A_256 = arith.constant 64 : i32
      %add3A_257 = vector.broadcast %add3A_256 : i32 to vector<16xi32>
      %add3A_258 = arith.addi %iota3A, %add3A_257 : vector<16xi32>
      %add3A_259 = vector.broadcast %add3A_184 : i32 to vector<16xi32>
      %add3A_260 = arith.addi %add3A_258, %add3A_259 : vector<16xi32>
      %rem3A_261 = arith.constant 200 : i32
      %rem3A_262 = vector.broadcast %rem3A_261 : i32 to vector<16xi32>
      %rem3A_263 = arith.remsi %add3A_260, %rem3A_262 : vector<16xi32>
      %add3A_264 = arith.constant 64 : i32
      %add3A_265 = arith.addi %mul3A_183, %add3A_264 : i32
      %get3A_266 = arith.index_cast %add3A_265 : i32 to index
      %get3A_267 = tpu.vector_load %arg9[%get3A_266] {strides = array<i32>} : memref<6400xi32, #tpu.memory_space<vmem>>, vector<16xi32>,
      %mul3A_268 = arith.constant 200 : i32
      %mul3A_269 = vector.broadcast %mul3A_268 : i32 to vector<16xi32>
      %mul3A_270 = arith.muli %get3A_267, %mul3A_269 : vector<16xi32>
      %add3A_271 = arith.addi %mul3A_270, %rem3A_263 : vector<16xi32>
      %add3A_272 = arith.constant 80 : i32
      %add3A_273 = vector.broadcast %add3A_272 : i32 to vector<16xi32>
      %add3A_274 = arith.addi %iota3A, %add3A_273 : vector<16xi32>
      %add3A_275 = vector.broadcast %add3A_184 : i32 to vector<16xi32>
      %add3A_276 = arith.addi %add3A_274, %add3A_275 : vector<16xi32>
      %rem3A_277 = arith.constant 200 : i32
      %rem3A_278 = vector.broadcast %rem3A_277 : i32 to vector<16xi32>
      %rem3A_279 = arith.remsi %add3A_276, %rem3A_278 : vector<16xi32>
      %add3A_280 = arith.constant 80 : i32
      %add3A_281 = arith.addi %mul3A_183, %add3A_280 : i32
      %get3A_282 = arith.index_cast %add3A_281 : i32 to index
      %get3A_283 = tpu.vector_load %arg9[%get3A_282] {strides = array<i32>} : memref<6400xi32, #tpu.memory_space<vmem>>, vector<16xi32>,
      %mul3A_284 = arith.constant 200 : i32
      %mul3A_285 = vector.broadcast %mul3A_284 : i32 to vector<16xi32>
      %mul3A_286 = arith.muli %get3A_283, %mul3A_285 : vector<16xi32>
      %add3A_287 = arith.addi %mul3A_286, %rem3A_279 : vector<16xi32>
      %add3A_288 = arith.constant 96 : i32
      %add3A_289 = vector.broadcast %add3A_288 : i32 to vector<16xi32>
      %add3A_290 = arith.addi %iota3A, %add3A_289 : vector<16xi32>
      %add3A_291 = vector.broadcast %add3A_184 : i32 to vector<16xi32>
      %add3A_292 = arith.addi %add3A_290, %add3A_291 : vector<16xi32>
      %rem3A_293 = arith.constant 200 : i32
      %rem3A_294 = vector.broadcast %rem3A_293 : i32 to vector<16xi32>
      %rem3A_295 = arith.remsi %add3A_292, %rem3A_294 : vector<16xi32>
      %add3A_296 = arith.constant 96 : i32
      %add3A_297 = arith.addi %mul3A_183, %add3A_296 : i32
      %get3A_298 = arith.index_cast %add3A_297 : i32 to index
      %get3A_299 = tpu.vector_load %arg9[%get3A_298] {strides = array<i32>} : memref<6400xi32, #tpu.memory_space<vmem>>, vector<16xi32>,
      %mul3A_300 = arith.constant 200 : i32
      %mul3A_301 = vector.broadcast %mul3A_300 : i32 to vector<16xi32>
      %mul3A_302 = arith.muli %get3A_299, %mul3A_301 : vector<16xi32>
      %add3A_303 = arith.addi %mul3A_302, %rem3A_295 : vector<16xi32>
      %add3A_304 = arith.constant 112 : i32
      %add3A_305 = vector.broadcast %add3A_304 : i32 to vector<16xi32>
      %add3A_306 = arith.addi %iota3A, %add3A_305 : vector<16xi32>
      %add3A_307 = vector.broadcast %add3A_184 : i32 to vector<16xi32>
      %add3A_308 = arith.addi %add3A_306, %add3A_307 : vector<16xi32>
      %rem3A_309 = arith.constant 200 : i32
      %rem3A_310 = vector.broadcast %rem3A_309 : i32 to vector<16xi32>
      %rem3A_311 = arith.remsi %add3A_308, %rem3A_310 : vector<16xi32>
      %add3A_312 = arith.constant 112 : i32
      %add3A_313 = arith.addi %mul3A_183, %add3A_312 : i32
      %get3A_314 = arith.index_cast %add3A_313 : i32 to index
      %get3A_315 = tpu.vector_load %arg9[%get3A_314] {strides = array<i32>} : memref<6400xi32, #tpu.memory_space<vmem>>, vector<16xi32>,
      %mul3A_316 = arith.constant 200 : i32
      %mul3A_317 = vector.broadcast %mul3A_316 : i32 to vector<16xi32>
      %mul3A_318 = arith.muli %get3A_315, %mul3A_317 : vector<16xi32>
      %add3A_319 = arith.addi %mul3A_318, %rem3A_311 : vector<16xi32>
      %dma_wait3A_320 = arith.constant 0 : i32
      %dma_wait3A_321 = arith.constant 0 : i32
      %dma_wait3A_322 = tpu.memref_slice %arg7[%dma_wait3A_320, %dma_wait3A_321] : memref<204800x128xf32, #tpu.memory_space<hbm>> -> memref<128x128xf32, #tpu.memory_space<hbm>>
      %dma_wait3A_323 = arith.constant 0 : i32
      %dma_wait3A_324 = arith.constant 0 : i32
      %dma_wait3A_325 = tpu.memref_slice %arg7[%dma_wait3A_323, %dma_wait3A_324] : memref<204800x128xf32, #tpu.memory_space<hbm>> -> memref<128x128xf32, #tpu.memory_space<hbm>>
      tpu.wait_dma2 semaphore(%arg15 : memref<!tpu.dma_semaphore, #tpu.memory_space<semaphore_mem>>) src(%dma_wait3A_325 : memref<128x128xf32, #tpu.memory_space<hbm>>) dst(%arg10 : memref<128x128xf32, #tpu.memory_space<vmem>>)
      %parallel_loop3A_326 = arith.constant 0 : i32
      %parallel_loop3A_327 = arith.constant 128 : i32
      %parallel_loop3A_328 = arith.constant 1 : i32
      scf.for %parallel_loop3A_334 = %parallel_loop3A_326 to %parallel_loop3A_327 step %parallel_loop3A_328  : i32 {
        %parallel_loop3A_335 = vector.broadcast %parallel_loop3A_334 : i32 to vector<16xi32>
        %parallel_loop3A_336 = arith.addi %iota3A, %parallel_loop3A_335 : vector<16xi32>
        %parallel_loop3A_337 = arith.constant 127 : i32
        %parallel_loop3A_338 = vector.broadcast %parallel_loop3A_337 : i32 to vector<16xi32>
        %parallel_loop3A_339 = arith.andi %parallel_loop3A_336, %parallel_loop3A_338 : vector<16xi32>
        %parallel_loop3A_340 = tpu.vector_load_idx %arg12[%add3A_207, %parallel_loop3A_339] : memref<600x128xf32, #tpu.memory_space<vmem>>[vector<16xi32>, vector<16xi32>], vector<16xf32>,
        tpu.vector_store_idx %arg11[%add3A_194, %parallel_loop3A_339], %parallel_loop3A_340 {add = true} : memref<128x128xf32, #tpu.memory_space<vmem>>[vector<16xi32>, vector<16xi32>], vector<16xf32>,
        %parallel_loop3A_341 = tpu.vector_load_idx %arg12[%add3A_223, %parallel_loop3A_339] : memref<600x128xf32, #tpu.memory_space<vmem>>[vector<16xi32>, vector<16xi32>], vector<16xf32>,
        tpu.vector_store_idx %arg11[%add3A_210, %parallel_loop3A_339], %parallel_loop3A_341 {add = true} : memref<128x128xf32, #tpu.memory_space<vmem>>[vector<16xi32>, vector<16xi32>], vector<16xf32>,
        %parallel_loop3A_342 = tpu.vector_load_idx %arg12[%add3A_239, %parallel_loop3A_339] : memref<600x128xf32, #tpu.memory_space<vmem>>[vector<16xi32>, vector<16xi32>], vector<16xf32>,
        tpu.vector_store_idx %arg11[%add3A_226, %parallel_loop3A_339], %parallel_loop3A_342 {add = true} : memref<128x128xf32, #tpu.memory_space<vmem>>[vector<16xi32>, vector<16xi32>], vector<16xf32>,
        %parallel_loop3A_343 = tpu.vector_load_idx %arg12[%add3A_255, %parallel_loop3A_339] : memref<600x128xf32, #tpu.memory_space<vmem>>[vector<16xi32>, vector<16xi32>], vector<16xf32>,
        tpu.vector_store_idx %arg11[%add3A_242, %parallel_loop3A_339], %parallel_loop3A_343 {add = true} : memref<128x128xf32, #tpu.memory_space<vmem>>[vector<16xi32>, vector<16xi32>], vector<16xf32>,
        %parallel_loop3A_344 = tpu.vector_load_idx %arg12[%add3A_271, %parallel_loop3A_339] : memref<600x128xf32, #tpu.memory_space<vmem>>[vector<16xi32>, vector<16xi32>], vector<16xf32>,
        tpu.vector_store_idx %arg11[%add3A_258, %parallel_loop3A_339], %parallel_loop3A_344 {add = true} : memref<128x128xf32, #tpu.memory_space<vmem>>[vector<16xi32>, vector<16xi32>], vector<16xf32>,
        %parallel_loop3A_345 = tpu.vector_load_idx %arg12[%add3A_287, %parallel_loop3A_339] : memref<600x128xf32, #tpu.memory_space<vmem>>[vector<16xi32>, vector<16xi32>], vector<16xf32>,
        tpu.vector_store_idx %arg11[%add3A_274, %parallel_loop3A_339], %parallel_loop3A_345 {add = true} : memref<128x128xf32, #tpu.memory_space<vmem>>[vector<16xi32>, vector<16xi32>], vector<16xf32>,
        %parallel_loop3A_346 = tpu.vector_load_idx %arg12[%add3A_303, %parallel_loop3A_339] : memref<600x128xf32, #tpu.memory_space<vmem>>[vector<16xi32>, vector<16xi32>], vector<16xf32>,
        tpu.vector_store_idx %arg11[%add3A_290, %parallel_loop3A_339], %parallel_loop3A_346 {add = true} : memref<128x128xf32, #tpu.memory_space<vmem>>[vector<16xi32>, vector<16xi32>], vector<16xf32>,
        %parallel_loop3A_347 = tpu.vector_load_idx %arg12[%add3A_319, %parallel_loop3A_339] : memref<600x128xf32, #tpu.memory_space<vmem>>[vector<16xi32>, vector<16xi32>], vector<16xf32>,
        tpu.vector_store_idx %arg11[%add3A_306, %parallel_loop3A_339], %parallel_loop3A_347 {add = true} : memref<128x128xf32, #tpu.memory_space<vmem>>[vector<16xi32>, vector<16xi32>], vector<16xf32>,
      } {sc.loop_unroll_factor = 8 : i64, sc.parallel_access}
      %dma_start3A_329 = arith.constant 0 : i32
      %dma_start3A_330 = tpu.memref_slice %arg7[%add3A_184, %dma_start3A_329] : memref<204800x128xf32, #tpu.memory_space<hbm>> -> memref<128x128xf32, #tpu.memory_space<hbm>>
      %dma_start3A_331 = arith.constant 0 : i32
      %dma_start3A_332 = tpu.memref_slice %arg7[%add3A_184, %dma_start3A_331] : memref<204800x128xf32, #tpu.memory_space<hbm>> -> memref<128x128xf32, #tpu.memory_space<hbm>>
      tpu.enqueue_dma source(%arg11 : memref<128x128xf32, #tpu.memory_space<vmem>>) target(%dma_start3A_332 : memref<128x128xf32, #tpu.memory_space<hbm>>) target_semaphore(%arg17 : memref<!tpu.dma_semaphore, #tpu.memory_space<semaphore_mem>>)
      %scan3A_333 = arith.constant 0 : i32
      scf.yield %scan3A_333 : i32
    }
    %scan3A_14 = arith.constant 25 : i32
    %dma_wait3A = arith.constant 0 : i32
    %dma_wait3A_15 = arith.constant 0 : i32
    %dma_wait3A_16 = tpu.memref_slice %arg7[%dma_wait3A, %dma_wait3A_15] : memref<204800x128xf32, #tpu.memory_space<hbm>> -> memref<128x128xf32, #tpu.memory_space<hbm>>
    %dma_wait3A_17 = arith.constant 0 : i32
    %dma_wait3A_18 = arith.constant 0 : i32
    %dma_wait3A_19 = tpu.memref_slice %arg7[%dma_wait3A_17, %dma_wait3A_18] : memref<204800x128xf32, #tpu.memory_space<hbm>> -> memref<128x128xf32, #tpu.memory_space<hbm>>
    tpu.wait_dma2 semaphore(%arg16 : memref<!tpu.dma_semaphore, #tpu.memory_space<semaphore_mem>>) src(%dma_wait3A_19 : memref<128x128xf32, #tpu.memory_space<hbm>>) dst(%arg10 : memref<128x128xf32, #tpu.memory_space<vmem>>)
    %dma_wait3A_20 = arith.constant 0 : i32
    %dma_wait3A_21 = arith.constant 0 : i32
    %dma_wait3A_22 = tpu.memref_slice %arg7[%dma_wait3A_20, %dma_wait3A_21] : memref<204800x128xf32, #tpu.memory_space<hbm>> -> memref<128x128xf32, #tpu.memory_space<hbm>>
    %dma_wait3A_23 = arith.constant 0 : i32
    %dma_wait3A_24 = arith.constant 0 : i32
    %dma_wait3A_25 = tpu.memref_slice %arg7[%dma_wait3A_23, %dma_wait3A_24] : memref<204800x128xf32, #tpu.memory_space<hbm>> -> memref<128x128xf32, #tpu.memory_space<hbm>>
    tpu.wait_dma2 semaphore(%arg17 : memref<!tpu.dma_semaphore, #tpu.memory_space<semaphore_mem>>) src(%dma_wait3A_25 : memref<128x128xf32, #tpu.memory_space<hbm>>) dst(%arg10 : memref<128x128xf32, #tpu.memory_space<vmem>>)
    return
  }
}

</mosaic_0001>

<sc_bundles>
// kernel: kernel.3.cloned.1.call-start
scs
__scs_entry_jumppad:
0x0: {  	(pc) =	sbr.rel $0x88, $3  }
0x1: {  	(tag) =	ssettag $0x0;
	lr =	simm.s32 $0x1  }
0x2: {  	[smem:$0x3F9C] =	sst lr;
	_ =	strace $0xD0000000  }
0x3: {  	_ = 	snop  }
0x4: {  	_ = 	snop  }
0x5: {  	_ = 	snop  }
0x6: {  	_ = 	snop  }
0x7: {  	_ = 	snop  }
__scs_overlays_trampoline_lowered:
0x8: {  	[smem:$0x3FAB] =	sst s0  }
0x9: {  	[smem:$0x3FAC] =	sst s1  }
0xa: {  	[smem:$0x3FAD] =	sst s2  }
0xb: {  	[smem:$0x3FAE] =	sst s3  }
0xc: {  	[smem:$0x3FAF] =	sst s4  }
0xd: {  	[smem:$0x3FB0] =	sst s5  }
0xe: {  	[smem:$0x3FB1] =	sst s6  }
0xf: {  	[smem:$0x3FB2] =	sst s7  }
0x10: {  	[smem:$0x3FB3] =	sst s8  }
0x11: {  	[smem:$0x3FB4] =	sst s9;
	s0 =	simm.s32 @!p0 $0x0  }
0x12: {  	s1 =	sld [smem:$0x3F9A];
	s0 =	simm.s32 @p0 $0x1  }
0x13: {  	[smem:$0x3FB5] =	sst s0;
	s0 =	simm.s32 @!p1 $0x0  }
0x14: {  	s2 =	sld [smem:$0x3F99];
	s0 =	simm.s32 @p1 $0x1  }
0x15: {  	[smem:$0x3FB6] =	sst s0;
	s0 =	simm.s32 @!p2 $0x0  }
0x16: {  	s3 =	sld [smem:$0x3FDB];
	s0 =	simm.s32 @p2 $0x1  }
0x17: {  	s4 =	simm.s32 $0x1BF5;
	[smem:$0x3FB8] =	sst s0  }
0x18: {  	s0 =	sld [smem:$0x3F9B];
	_ =	swait.ge [sflag:s4], $0x0  }
0x19: {  	s7 =	sld [smem:$0x3F9C]  }
0x1a: {  	s8 =	sadd.s32 $0xFFFFE003, lr  }
0x1b: {  	s9 =	sadd.s32 $0xFFFFFEF7, lr;
	s5 =	simm.s32 $0xFFFFFFFF;
	p2 =	slt.u32 s8, $0xFFFFF086  }
0x1c: {  	p1 =	slt.u32 s9, $0xF7A;
	s5 =	simm.s32 @!p2 $0x0  }
0x1d: {  	s5 =	simm.s32 @p1 $0x1;
	p0 =	seq.s32 s7, s2  }
0x1e: {  	s7 =	smul.u32 @!p0 $0xF7A, s2;
	p2 =	seq.s32 @!p0 s5, $0x0  }
0x1f: {  	s9 =	smul.u32 $0xF7A, s1;
	s8 =	simm.s32 @!p0 $0x1BF5;
	p2 =	por !p2, p0  }
0x20: {  	[sflag:s8] =	ssyncset.s32 @!p0 $0xFFFFF086;
	s6 =	sadd.s32 @!p0 s3, s7;
	s7 =	simm.s32 @!p0 $0x108  }
0x21: {  	s3 =	sadd.s32 s3, s9;
	s6 =	sadd.s32 @!p0 $0x88, s6;
	s7 =	simm.s32 @p2 $0x1082  }
0x22: {  	[simem:s7], [sflag:s8] =	dma.local @!p0 [hbm:s6], $0xF7A  }
0x23: {  	s9 =	sor.u32 $0xD0000000, s2;
	s6 =	simm.s32 $0x108;
	_ =	swait.ge @!p0 [sflag:s8], $0x0  }
0x24: {  	s3 =	sadd.s32 $0x88, s3;
	s6 =	simm.s32 @!p1 $0x1082;
	[sflag:s4] =	ssyncset.s32 $0xFFFFF086  }
0x25: {  	[simem:s6], [sflag:s4] =	dma.local [hbm:s3], $0xF7A  }
0x26: {  	[smem:$0x3F9C] =	sst s1;
	(tag) =	ssettag s2;
	_ =	strace s9  }
0x27: {  	s1 =	sld [smem:$0x3FAC]  }
0x28: {  	s2 =	sld [smem:$0x3FAD]  }
0x29: {  	s4 =	sld [smem:$0x3FAF]  }
0x2a: {  	p0 =	seq.s32 s5, $0x0;
	s5 =	sld [smem:$0x3FB0]  }
0x2b: {  	s6 =	sld [smem:$0x3FB1]  }
0x2c: {  	s7 =	sld [smem:$0x3FB2]  }
0x2d: {  	s3 =	simm.s32 $0x108;
	s8 =	sld [smem:$0x3FB3]  }
0x2e: {  	s3 =	simm.s32 @!p0 $0x1082;
	s9 =	sld [smem:$0x3FB4]  }
0x2f: {  	lr =	sadd.s32 s0, s3;
	s0 =	sld [smem:$0x3FAB]  }
0x30: {  	s3 =	sld [smem:$0x3FAE]  }
0x31: {  	[smem:$0x3FB7] =	sst s10  }
0x32: {  	s10 =	sld [smem:$0x3FB5];
	_ =	sdelay $0x3  }
0x33: {  	p0 =	seq.s32 s10, $0x1;
	s10 =	sld [smem:$0x3FB7];
	_ =	sdelay $0x3  }
0x34: {  	[smem:$0x3FB7] =	sst s10  }
0x35: {  	s10 =	sld [smem:$0x3FB6];
	_ =	sdelay $0x3  }
0x36: {  	p1 =	seq.s32 s10, $0x1;
	s10 =	sld [smem:$0x3FB7];
	_ =	sdelay $0x3  }
0x37: {  	[smem:$0x3FB7] =	sst s10  }
0x38: {  	s10 =	sld [smem:$0x3FB8]  }
0x39: {  	_ = 	snop;
	(pc) =	sbr.ind lr, $3  }
0x3a: {  	_ = 	snop  }
0x3b: {  	_ = 	snop  }
0x3c: {  	p2 =	seq.s32 s10, $0x1;
	s10 =	sld [smem:$0x3FB7]  }
0x3d: {  	_ =	shalt  }
0x3e: {  	_ =	shalt  }
0x3f: {  	_ =	shalt  }
0x40: {  	_ =	shalt  }
0x41: {  	_ =	shalt  }
0x42: {  	_ =	shalt  }
0x43: {  	_ =	shalt  }
0x44: {  	_ =	shalt  }
0x45: {  	_ =	shalt  }
0x46: {  	_ =	shalt  }
0x47: {  	_ =	shalt  }
0x48: {  	_ =	shalt  }
0x49: {  	_ =	shalt  }
0x4a: {  	_ =	shalt  }
0x4b: {  	_ =	shalt  }
0x4c: {  	_ =	shalt  }
0x4d: {  	_ =	shalt  }
0x4e: {  	_ =	shalt  }
0x4f: {  	_ =	shalt  }
0x50: {  	_ =	shalt  }
0x51: {  	_ =	shalt  }
0x52: {  	_ =	shalt  }
0x53: {  	_ =	shalt  }
0x54: {  	_ =	shalt  }
0x55: {  	_ =	shalt  }
0x56: {  	_ =	shalt  }
0x57: {  	_ =	shalt  }
0x58: {  	_ =	shalt  }
0x59: {  	_ =	shalt  }
0x5a: {  	_ =	shalt  }
0x5b: {  	_ =	shalt  }
0x5c: {  	_ =	shalt  }
0x5d: {  	_ =	shalt  }
0x5e: {  	_ =	shalt  }
0x5f: {  	_ =	shalt  }
0x60: {  	_ =	shalt  }
0x61: {  	_ =	shalt  }
0x62: {  	_ =	shalt  }
0x63: {  	_ =	shalt  }
0x64: {  	_ =	shalt  }
0x65: {  	_ =	shalt  }
0x66: {  	_ =	shalt  }
0x67: {  	_ =	shalt  }
0x68: {  	_ =	shalt  }
0x69: {  	_ =	shalt  }
0x6a: {  	_ =	shalt  }
0x6b: {  	_ =	shalt  }
0x6c: {  	_ =	shalt  }
0x6d: {  	_ =	shalt  }
0x6e: {  	_ =	shalt  }
0x6f: {  	_ =	shalt  }
0x70: {  	_ =	shalt  }
0x71: {  	_ =	shalt  }
0x72: {  	_ =	shalt  }
0x73: {  	_ =	shalt  }
0x74: {  	_ =	shalt  }
0x75: {  	_ =	shalt  }
0x76: {  	_ =	shalt  }
0x77: {  	_ =	shalt  }
0x78: {  	_ =	shalt  }
0x79: {  	_ =	shalt  }
0x7a: {  	_ =	shalt  }
0x7b: {  	_ =	shalt  }
0x7c: {  	_ =	shalt  }
0x7d: {  	_ =	shalt  }
0x7e: {  	_ =	shalt  }
0x7f: {  	_ =	shalt  }
0x80: {  	_ =	shalt  }
0x81: {  	_ =	shalt  }
0x82: {  	_ =	shalt  }
0x83: {  	_ =	shalt  }
0x84: {  	_ =	shalt  }
0x85: {  	_ =	shalt  }
0x86: {  	_ =	shalt  }
0x87: {  	_ =	shalt  }
.Lfunc_end0:
.L_simem_size_0:
called_computation_lowered:
.L_overlay_start_0:
0x88: {  	s2 =	sld [smem:$0x3FD9]  }
0x89: {  	s3 =	sld [smem:$0x3FFE];
	_ =	sdelay $0x1  }
0x8a: {  	s1 =	srdreg.scid  }
0x8b: {  	s0 =	sand.u32 $0x1, s1  }
0x8c: {  	s17 =	sshll.u32 s0, $0xA;
	s2 =	sadd.s32 s3, s2  }
0x8d: {  	s2 =	sadd.s32 s2, s17  }
0x8e: {  	[smem:$0x3FC3] =	sst s2  }
0x8f: {  	_ = 	snop  }
0x90: {  	s2 =	sld [smem:$0x3FC7]  }
0x91: {  	s18 =	sld [smem:$0x3FC6]  }
0x92: {  	s4 =	sld [smem:$0x3FC5]  }
0x93: {  	s5 =	sld [smem:$0x3FD0];
	(tm) =	ssettm $0x1  }
0x94: {  	s6 =	sld [smem:$0x3FFB];
	_ =	sdelay $0x3  }
0x95: {  	_ =	strace s6  }
0x96: {  	s6 =	sld [smem:$0x3FFC];
	_ =	sdelay $0x3  }
0x97: {  	_ =	strace s6  }
0x98: {  	s6 =	sld [smem:$0x3FFD];
	_ =	sdelay $0x3  }
0x99: {  	_ =	strace s6  }
0x9a: {  	_ =	strace $0x8FFFFFFF  }
0x9b: {  	s19 =	sld [smem:$0x3FDB];
	_ =	sdelay $0x1  }
0x9c: {  	s7 =	simm.s32 $_scs_section_size  }
0x9d: {  	s8 =	simm.s32 $_size__tile_overlayer_lowered;
	s9 =	simm.s32 $_tile_overlayer_lowered  }
0x9e: {  	s22 =	simm.s32 $0x1BFF;
	s21 =	sshll.u32 s9, $0x1;
	s6 =	sadd.s32 s7, s19  }
0x9f: {  	s10 =	simm.s32 $0x0;
	s20 =	sshll.u32 s8, $0x1;
	s8 =	sadd.s32 s21, s6  }
0xa0: {  	[timem:s10], [sflag:s22] =	dma.local [hbm:s8], s20  }
0xa1: {  	_ =	swait.ge [sflag:s22], s20  }
0xa2: {  	s7 =	ssub.s32 $0x0, s20;
	[sflag:s22] =	ssyncset.done $0x0  }
0xa3: {  	[sflag:s22] =	ssyncadd.s32 s7;
	_ =	sdelay $0x1  }
0xa4: {  	s23 =	simm.s32 $0x1B8B  }
0xa5: {  	_ =	swait.ge [sflag:s23], $0x1  }
0xa6: {  	[sflag:s23] =	ssyncset.done $0x0  }
0xa7: {  	s25 =	simm.s32 $0x1B8E;
	s24 =	sld [smem:$0x3FFE];
	[sflag:s23] =	ssyncadd.s32 $0xFFFFFFFF  }
0xa8: {  	s26 =	simm.s32 $execute0_lowered;
	[smem:$0x3FD2] =	sst s25  }
0xa9: {  	s8 =	sshll.u32 s26, $0x1;
	_ =	strace $0x80000046;
	[dreg:$0x1] =	wrdreg $0xFFFFFFFF  }
0xaa: {  	s28 =	simm.s32 $_size_execute0_lowered;
	s6 =	sadd.s32 s6, s8;
	[dreg:$0x0] =	wrdreg $0x0  }
0xab: {  	s8 =	sshll.u32 s28, $0x1;
	[dreg:$0x2] =	wrdreg s6  }
0xac: {  	[dreg:$0x3] =	wrdreg s8  }
0xad: {  	[dreg:$0x4] =	wrdreg $0xC0  }
0xae: {  	_ =	task [dreg:s10], $0x5FFFF  }
0xaf: {  	[dreg:$0x1] =	wrdreg $0xFFFFFFFF  }
0xb0: {  	[dreg:$0x0] =	wrdreg $0x60  }
0xb1: {  	[dreg:$0x2] =	wrdreg s24  }
0xb2: {  	[dreg:$0x3] =	wrdreg s2  }
0xb3: {  	[dreg:$0x4] =	wrdreg s18  }
0xb4: {  	[dreg:$0x5] =	wrdreg s4  }
0xb5: {  	[dreg:$0x6] =	wrdreg s5  }
0xb6: {  	[dreg:$0x7] =	wrdreg $0x9  }
0xb7: {  	_ =	task.clear_ibuf [dreg:s10], $0x8FFFF;
	_ =	strace $0x90000046  }
0xb8: {  	s29 =	simm.s32 $0x9;
	_ =	strace $0x80000048  }
0xb9: {  	_ =	swait.ge [sflag:s29], $0x1  }
0xba: {  	[sflag:s29] =	ssyncadd.s32 $0xFFFFFFFF  }
0xbb: {  	_ =	strace $0x90000048  }
0xbc: {  	_ =	sfence  }
0xbd: {  	s30 =	sld [smem:$0x0];
	_ =	sdelay $0x2  }
0xbe: {  	s31 =	sshll.u32 s1, $0xD;
	s1 =	sshrl.u32 s1, $0x2  }
0xbf: {  	s3 =	sand.u32 $0x4000, s31;
	s1 =	sadd.s32 s1, s30  }
0xc0: {  	s0 =	sor.u32 s3, s0;
	s1 =	sshll.u32 s1, $0x11  }
0xc1: {  	s0 =	sor.u32 s1, s0  }
0xc2: {  	s0 =	sadd.s32 $0x8F2B, s0  }
0xc3: {  	[sflag:s0] =	ssyncadd.remote.s32 $0x1  }
0xc4: {  	_ =	sfence.sel $0xFFFF  }
0xc5: {  	[dreg:$0x0] =	wrdreg $0xFFFFFFFF;
	(pc) =	sbr.abs _section_cstart, $3  }
0xc6: {  	[dreg:$0x1] =	wrdreg $0xFFFFFFFF  }
0xc7: {  	_ =	task.clear_ibuf [dreg:s10], $0x2FFFF;
	_ =	strace $0x9FFFFFFF  }
0xc8: {  	(tm) =	ssettm $0x7FFFFFFF  }
0xc9: {  	_ =	shalt  }
tec
execute0_lowered:
.L_overlay_start_1:
0x0: {  	(tag) =	ssettag $0x1  }
0x1: {  	s3 =	rddreg [dreg:$0x0]  }
0x2: {  	s1 =	rddreg [dreg:$0x1]  }
0x3: {  	s4 =	srdreg.scid;
	s0 =	stileid.u32  }
0x4: {  	s7 =	simm.s32 $0x0;
	s11 =	simm.s32 $0x5;
	s13 =	simm.s32 $0x1DE00  }
0x5: {  	s14 =	simm.s32 $0xB200;
	s15 =	simm.s32 $0x11600;
	s16 =	simm.s32 $0x17A00  }
0x6: {  	s17 =	simm.s32 $0x80;
	s18 =	simm.s32 $0x3200;
	s19 =	simm.s32 $0x7200  }
0x7: {  	s20 =	simm.s32 $0x1;
	s8 =	sand.u32 $0x1, s4;
	s5 =	sshll.u32 s0, $0x1  }
0x8: {  	v0 =	vlaneseq.u32;
	s21 =	simm.s32 $0x2;
	s22 =	simm.s32 $0x3;
	s6 =	sor.u32 s8, s5  }
0x9: {  	s23 =	simm.s32 $0x4;
	s4 =	rddreg [dreg:$0x3];
	v1 =	vor.u32 $0x10, v0;
	v2 =	vor.u32 $0x20, v0;
	v3 =	vmul.u32 $0x80, v0;
	s6 =	smul.u32 $0x1900, s6  }
0xa: {  	s24 =	simm.s32 $0x0;
	[smem:$0x7FF] =	sst s7;
	v4 =	vor.u32 $0x30, v0;
	v5 =	vor.u32 $0x40, v0;
	v6 =	vor.u32 $0x50, v0;
	s8 =	ssub.s32 $0x2, s8  }
0xb: {  	v7 =	vor.u32 $0x60, v0;
	v8 =	vor.u32 $0x70, v0;
	s5 =	rddreg [dreg:$0x4];
	s31 =	sshrl.u32 s8, $0x1;
	v9 =	vor.u32 $0x800, v3;
	s9 =	sshrl.u32 s6, $0x3  }
0xc: {  	_ =	strace $0x80000047;
	v10 =	vor.u32 $0x1000, v3;
	v11 =	vor.u32 $0x1800, v3;
	v12 =	vor.u32 $0x2000, v3;
	s10 =	ssub.s32 s8, s31;
	s3 =	sadd.s32 s9, s3  }
0xd: {  	v13 =	vor.u32 $0x2800, v3;
	v14 =	vor.u32 $0x3000, v3;
	v15 =	vor.u32 $0x3800, v3;
	s10 =	smax.u32 s10, $0x1;
	s8 =	sadd.s32 $0x400, s3;
	s9 =	sadd.s32 $0x6800, s3  }
.LBB2_1:
0xe: {  	[tilespmem:s7], [sflag:$0x5] =	stream.linear.gather [hbm4b:s8+s7], $0x1900, $0x38;
	[tilespmem:$0x1E000] =	vst v63  }
0xf: {  	_ =	swait.ge [sflag:s11], $0x1900  }
0x10: {  	[sflag:s11] =	ssyncset.done $0x0  }
0x11: {  	s0 =	simm.s32 $0x1900;
	[sflag:s11] =	ssyncadd.s32 $0xFFFFE700  }
0x12: {  	[tilespmem:s0], [sflag:$0x5] =	stream.linear.gather [hbm4b:s9+s7], $0x1900, $0x38;
	[tilespmem:$0x1E000] =	vst v63  }
0x13: {  	_ =	swait.ge [sflag:s11], $0x1900  }
0x14: {  	[sflag:s11] =	ssyncset.done $0x0  }
0x15: {  	[sflag:s11] =	ssyncadd.s32 $0xFFFFE700  }
0x16: {  	s31 =	rddreg [dreg:$0x2]  }
0x17: {  	[tilespmem:s13], [sflag:$0x5] =	stream.linear.gather [hbm4b:s31+s7], $0x180, $0x38;
	[tilespmem:$0x1E000] =	vst v63  }
0x18: {  	_ =	swait.ge [sflag:s11], $0x180  }
0x19: {  	[sflag:s11] =	ssyncset.done $0x0  }
0x1a: {  	[sflag:s11] =	ssyncadd.s32 $0xFFFFFE80  }
0x1b: {  	[tilespmem:s14], [sflag:$0x5] =	stream.linear.gather [hbm4b:s4+s7], $0x6400, $0x38;
	[tilespmem:$0x1E000] =	vst v63  }
0x1c: {  	_ =	swait.ge [sflag:s11], $0x6400  }
0x1d: {  	[sflag:s11] =	ssyncset.done $0x0  }
0x1e: {  	[sflag:s11] =	ssyncadd.s32 $0xFFFF9C00  }
0x1f: {  	[tilespmem:s15], [sflag:$0x5] =	stream.linear.gather [hbm4b:s4+s7], $0x6400, $0x38;
	[tilespmem:$0x1E000] =	vst v63  }
0x20: {  	_ =	swait.ge [sflag:s11], $0x6400  }
0x21: {  	[sflag:s11] =	ssyncset.done $0x0  }
0x22: {  	[sflag:s11] =	ssyncadd.s32 $0xFFFF9C00  }
0x23: {  	[tilespmem:s16], [sflag:$0x5] =	stream.linear.gather [hbm4b:s4+s7], $0x6400, $0x38;
	[tilespmem:$0x1E000] =	vst v63  }
0x24: {  	_ =	swait.ge [sflag:s11], $0x6400  }
0x25: {  	[sflag:s11] =	ssyncset.done $0x0  }
0x26: {  	[sflag:s11] =	ssyncadd.s32 $0xFFFF9C00  }
0x27: {  	s25 =	simm.s32 $0x0;
	v16 =	vld [tilespmem:$0x1DE00]  }
0x28: {  	v17 =	vld [tilespmem:s25+$0xB200];
	_ =	sdelay $0x4  }
0x29: {  	v16 =	vadd.f32 v16, v17;
	_ =	sdelay $0x1  }
0x2a: {  	[tilespmem:s25+$0xB200] =	vst v16;
	v16 =	vld [tilespmem:s25+$0xB210]  }
0x2b: {  	v17 =	vld [tilespmem:$0x1DE10];
	_ =	sdelay $0x4  }
0x2c: {  	v16 =	vadd.f32 v17, v16;
	_ =	sdelay $0x1  }
0x2d: {  	[tilespmem:s25+$0xB210] =	vst v16;
	v16 =	vld [tilespmem:s25+$0xB220]  }
0x2e: {  	v17 =	vld [tilespmem:$0x1DE20];
	_ =	sdelay $0x4  }
0x2f: {  	v16 =	vadd.f32 v17, v16;
	_ =	sdelay $0x1  }
0x30: {  	[tilespmem:s25+$0xB220] =	vst v16;
	v16 =	vld [tilespmem:s25+$0xB230]  }
0x31: {  	v17 =	vld [tilespmem:$0x1DE30];
	_ =	sdelay $0x4  }
0x32: {  	v16 =	vadd.f32 v17, v16;
	_ =	sdelay $0x1  }
0x33: {  	[tilespmem:s25+$0xB230] =	vst v16;
	v16 =	vld [tilespmem:s25+$0xB240]  }
0x34: {  	v17 =	vld [tilespmem:$0x1DE40];
	_ =	sdelay $0x4  }
0x35: {  	v16 =	vadd.f32 v17, v16;
	_ =	sdelay $0x1  }
0x36: {  	[tilespmem:s25+$0xB240] =	vst v16;
	v16 =	vld [tilespmem:s25+$0xB250]  }
0x37: {  	v17 =	vld [tilespmem:$0x1DE50];
	_ =	sdelay $0x1  }
0x38: {  	s26 =	simm.s32 $0x80;
	v18 =	vld [tilespmem:$0x1DE00]  }
0x39: {  	v19 =	vld [tilespmem:s26+$0xB200];
	_ =	sdelay $0x1  }
0x3a: {  	v16 =	vadd.f32 v17, v16;
	_ =	sdelay $0x1  }
0x3b: {  	[tilespmem:s25+$0xB250] =	vst v16;
	v16 =	vld [tilespmem:s25+$0xB260]  }
0x3c: {  	v17 =	vadd.f32 v18, v19;
	v18 =	vld [tilespmem:$0x1DE60];
	_ =	sdelay $0x4  }
0x3d: {  	[tilespmem:s26+$0xB200] =	vst v17;
	v17 =	vld [tilespmem:s26+$0xB210];
	v16 =	vadd.f32 v18, v16  }
0x3e: {  	v19 =	vld [tilespmem:$0x1DE10]  }
0x3f: {  	v18 =	vld [tilespmem:s25+$0xB270];
	[tilespmem:s25+$0xB260] =	vst v16  }
0x40: {  	v16 =	vld [tilespmem:$0x1DE70];
	_ =	sdelay $0x2  }
0x41: {  	v17 =	vadd.f32 v19, v17;
	_ =	sdelay $0x1  }
0x42: {  	[tilespmem:s26+$0xB210] =	vst v17;
	v17 =	vld [tilespmem:s26+$0xB220];
	v16 =	vadd.f32 v16, v18  }
0x43: {  	v19 =	vld [tilespmem:$0x1DE20]  }
0x44: {  	v18 =	vld [tilespmem:s25+$0x11600];
	[tilespmem:s25+$0xB270] =	vst v16  }
0x45: {  	v16 =	vld [tilespmem:$0x1DE80];
	_ =	sdelay $0x2  }
0x46: {  	v17 =	vadd.f32 v19, v17;
	_ =	sdelay $0x1  }
0x47: {  	[tilespmem:s26+$0xB220] =	vst v17;
	v17 =	vld [tilespmem:s26+$0xB230];
	v16 =	vadd.f32 v16, v18  }
0x48: {  	v18 =	vld [tilespmem:$0x1DE30]  }
0x49: {  	v19 =	vld [tilespmem:s25+$0x11610];
	[tilespmem:s25+$0x11600] =	vst v16  }
0x4a: {  	v16 =	vld [tilespmem:$0x1DE90];
	_ =	sdelay $0x2  }
0x4b: {  	v17 =	vadd.f32 v18, v17;
	_ =	sdelay $0x1  }
0x4c: {  	[tilespmem:s26+$0xB230] =	vst v17;
	v17 =	vld [tilespmem:s26+$0xB240];
	v16 =	vadd.f32 v16, v19  }
0x4d: {  	v19 =	vld [tilespmem:$0x1DE40]  }
0x4e: {  	v18 =	vld [tilespmem:s25+$0x11620];
	[tilespmem:s25+$0x11610] =	vst v16  }
0x4f: {  	v16 =	vld [tilespmem:$0x1DEA0];
	_ =	sdelay $0x2  }
0x50: {  	v17 =	vadd.f32 v19, v17;
	_ =	sdelay $0x1  }
0x51: {  	[tilespmem:s26+$0xB240] =	vst v17;
	v17 =	vld [tilespmem:s26+$0xB250];
	v16 =	vadd.f32 v16, v18  }
0x52: {  	v19 =	vld [tilespmem:$0x1DE50]  }
0x53: {  	v18 =	vld [tilespmem:s25+$0x11630];
	[tilespmem:s25+$0x11620] =	vst v16  }
0x54: {  	v16 =	vld [tilespmem:$0x1DEB0]  }
0x55: {  	s28 =	simm.s32 $0x100;
	v20 =	vld [tilespmem:$0x1DE00]  }
0x56: {  	v21 =	vld [tilespmem:s28+$0xB200]  }
0x57: {  	v17 =	vadd.f32 v19, v17;
	_ =	sdelay $0x1  }
0x58: {  	[tilespmem:s26+$0xB250] =	vst v17;
	v17 =	vld [tilespmem:s26+$0xB260];
	v16 =	vadd.f32 v16, v18  }
0x59: {  	v18 =	vld [tilespmem:s25+$0x11640]  }
0x5a: {  	v19 =	vadd.f32 v20, v21;
	[tilespmem:s25+$0x11630] =	vst v16;
	v16 =	vld [tilespmem:$0x1DE60]  }
0x5b: {  	v20 =	vld [tilespmem:$0x1DEC0]  }
0x5c: {  	[tilespmem:s28+$0xB200] =	vst v19;
	v19 =	vld [tilespmem:s28+$0xB210]  }
0x5d: {  	v21 =	vld [tilespmem:$0x1DE10];
	_ =	sdelay $0x1  }
0x5e: {  	v16 =	vadd.f32 v16, v17  }
0x5f: {  	v17 =	vld [tilespmem:s26+$0xB270];
	v18 =	vadd.f32 v20, v18  }
0x60: {  	v20 =	vld [tilespmem:s25+$0x11650];
	[tilespmem:s26+$0xB260] =	vst v16  }
0x61: {  	v16 =	vadd.f32 v21, v19;
	v19 =	vld [tilespmem:$0x1DE70];
	[tilespmem:s25+$0x11640] =	vst v18  }
0x62: {  	v18 =	vld [tilespmem:$0x1DED0];
	_ =	sdelay $0x2  }
0x63: {  	[tilespmem:s28+$0xB210] =	vst v16;
	v16 =	vld [tilespmem:s28+$0xB220]  }
0x64: {  	v21 =	vld [tilespmem:$0x1DE20];
	v17 =	vadd.f32 v19, v17  }
0x65: {  	v19 =	vld [tilespmem:s26+$0x11600];
	v18 =	vadd.f32 v18, v20  }
0x66: {  	v20 =	vld [tilespmem:s25+$0x11660];
	[tilespmem:s26+$0xB270] =	vst v17  }
0x67: {  	v17 =	vld [tilespmem:$0x1DE80];
	[tilespmem:s25+$0x11650] =	vst v18  }
0x68: {  	v18 =	vld [tilespmem:$0x1DEE0]  }
0x69: {  	v16 =	vadd.f32 v21, v16;
	_ =	sdelay $0x1  }
0x6a: {  	[tilespmem:s28+$0xB220] =	vst v16;
	v16 =	vld [tilespmem:s28+$0xB230]  }
0x6b: {  	v21 =	vld [tilespmem:$0x1DE30];
	v17 =	vadd.f32 v17, v19  }
0x6c: {  	v19 =	vld [tilespmem:s26+$0x11610];
	v18 =	vadd.f32 v18, v20  }
0x6d: {  	v20 =	vld [tilespmem:s25+$0x11670];
	[tilespmem:s26+$0x11600] =	vst v17  }
0x6e: {  	v17 =	vld [tilespmem:$0x1DE90];
	[tilespmem:s25+$0x11660] =	vst v18  }
0x6f: {  	v18 =	vld [tilespmem:$0x1DEF0]  }
0x70: {  	v16 =	vadd.f32 v21, v16;
	_ =	sdelay $0x1  }
0x71: {  	[tilespmem:s28+$0xB230] =	vst v16;
	v16 =	vld [tilespmem:s28+$0xB240]  }
0x72: {  	v21 =	vld [tilespmem:$0x1DE40];
	v17 =	vadd.f32 v17, v19  }
0x73: {  	v19 =	vld [tilespmem:s26+$0x11620];
	v18 =	vadd.f32 v18, v20  }
0x74: {  	v20 =	vld [tilespmem:s25+$0x17A00];
	[tilespmem:s26+$0x11610] =	vst v17  }
0x75: {  	v17 =	vld [tilespmem:$0x1DEA0];
	[tilespmem:s25+$0x11670] =	vst v18  }
0x76: {  	v18 =	vld [tilespmem:$0x1DF00];
	_ =	sdelay $0x1  }
0x77: {  	v16 =	vadd.f32 v21, v16  }
0x78: {  	v22 =	vld [tilespmem:s25+$0x17A10]  }
0x79: {  	[tilespmem:s28+$0xB240] =	vst v16;
	v16 =	vld [tilespmem:s28+$0xB250];
	v17 =	vadd.f32 v17, v19  }
0x7a: {  	v19 =	vld [tilespmem:$0x1DE50];
	v18 =	vadd.f32 v18, v20  }
0x7b: {  	v21 =	vld [tilespmem:s26+$0x11630];
	[tilespmem:s26+$0x11620] =	vst v17  }
0x7c: {  	v23 =	vld [tilespmem:$0x1DEB0];
	[tilespmem:s25+$0x17A00] =	vst v18  }
0x7d: {  	v18 =	vld [tilespmem:$0x1DF10]  }
0x7e: {  	v20 =	vld [tilespmem:$0x1DE00]  }
0x7f: {  	v17 =	vadd.f32 v19, v16;
	v16 =	vld [tilespmem:s25+$0x17A20]  }
0x80: {  	v19 =	vld [tilespmem:s28+$0xB260]  }
0x81: {  	s29 =	simm.s32 $0x180;
	[tilespmem:s28+$0xB250] =	vst v17;
	v17 =	vld [tilespmem:s26+$0x11640];
	v21 =	vadd.f32 v23, v21  }
0x82: {  	v18 =	vadd.f32 v18, v22;
	v22 =	vld [tilespmem:s29+$0xB200]  }
0x83: {  	[tilespmem:s26+$0x11630] =	vst v21;
	v21 =	vld [tilespmem:$0x1DE60]  }
0x84: {  	s30 =	simm.s32 $0x800;
	[tilespmem:s25+$0x17A10] =	vst v18;
	v18 =	vld [tilespmem:$0x1DEC0]  }
.LBB2_2:
0x85: {  	p0 =	sne.s32 s30, $0x18E00;
	v23 =	vld [tilespmem:$0x1DF20];
	s31 =	smov.u32 s28;
	s28 =	smov.u32 s29  }
0x86: {  	v24 =	vld [tilespmem:s25+$0x17A30]  }
0x87: {  	v20 =	vadd.f32 v20, v22;
	v22 =	vld [tilespmem:s26+$0x11650]  }
0x88: {  	v19 =	vadd.f32 v21, v19;
	v21 =	vld [tilespmem:s31+$0xB270]  }
0x89: {  	[tilespmem:s28+$0xB200] =	vst v20;
	v20 =	vld [tilespmem:s28+$0xB210];
	v17 =	vadd.f32 v18, v17  }
0x8a: {  	v18 =	vld [tilespmem:$0x1DE10];
	[tilespmem:s31+$0xB260] =	vst v19;
	v16 =	vadd.f32 v23, v16  }
0x8b: {  	v19 =	vld [tilespmem:$0x1DE70];
	[tilespmem:s26+$0x11640] =	vst v17  }
0x8c: {  	v17 =	vld [tilespmem:$0x1DED0];
	[tilespmem:s25+$0x17A20] =	vst v16  }
0x8d: {  	v16 =	vld [tilespmem:$0x1DF30]  }
0x8e: {  	v23 =	vld [tilespmem:s25+$0x17A40]  }
0x8f: {  	v18 =	vadd.f32 v18, v20;
	v20 =	vld [tilespmem:s26+$0x11660]  }
0x90: {  	v19 =	vadd.f32 v19, v21;
	v21 =	vld [tilespmem:s31+$0x11600]  }
0x91: {  	[tilespmem:s28+$0xB210] =	vst v18;
	v18 =	vld [tilespmem:s28+$0xB220];
	v17 =	vadd.f32 v17, v22  }
0x92: {  	v22 =	vld [tilespmem:$0x1DE20];
	[tilespmem:s31+$0xB270] =	vst v19;
	v16 =	vadd.f32 v16, v24  }
0x93: {  	v19 =	vld [tilespmem:$0x1DE80];
	[tilespmem:s26+$0x11650] =	vst v17  }
0x94: {  	v17 =	vld [tilespmem:$0x1DEE0];
	[tilespmem:s25+$0x17A30] =	vst v16  }
0x95: {  	v16 =	vld [tilespmem:$0x1DF40]  }
0x96: {  	v24 =	vld [tilespmem:s25+$0x17A50]  }
0x97: {  	v18 =	vadd.f32 v22, v18;
	v22 =	vld [tilespmem:s26+$0x11670]  }
0x98: {  	v19 =	vadd.f32 v19, v21;
	v21 =	vld [tilespmem:s31+$0x11610]  }
0x99: {  	[tilespmem:s28+$0xB220] =	vst v18;
	v18 =	vld [tilespmem:s28+$0xB230];
	v17 =	vadd.f32 v17, v20  }
0x9a: {  	v20 =	vld [tilespmem:$0x1DE30];
	[tilespmem:s31+$0x11600] =	vst v19;
	v16 =	vadd.f32 v16, v23  }
0x9b: {  	v19 =	vld [tilespmem:$0x1DE90];
	[tilespmem:s26+$0x11660] =	vst v17  }
0x9c: {  	v17 =	vld [tilespmem:$0x1DEF0];
	[tilespmem:s25+$0x17A40] =	vst v16  }
0x9d: {  	v16 =	vld [tilespmem:$0x1DF50]  }
0x9e: {  	v23 =	vld [tilespmem:s25+$0x17A60]  }
0x9f: {  	v18 =	vadd.f32 v20, v18;
	v20 =	vld [tilespmem:s26+$0x17A00]  }
0xa0: {  	v19 =	vadd.f32 v19, v21;
	v21 =	vld [tilespmem:s31+$0x11620]  }
0xa1: {  	[tilespmem:s28+$0xB230] =	vst v18;
	v18 =	vld [tilespmem:s28+$0xB240];
	v17 =	vadd.f32 v17, v22  }
0xa2: {  	v22 =	vld [tilespmem:$0x1DE40];
	[tilespmem:s31+$0x11610] =	vst v19;
	v16 =	vadd.f32 v16, v24  }
0xa3: {  	v19 =	vld [tilespmem:$0x1DEA0];
	[tilespmem:s26+$0x11670] =	vst v17  }
0xa4: {  	v17 =	vld [tilespmem:$0x1DF00];
	[tilespmem:s25+$0x17A50] =	vst v16  }
0xa5: {  	v16 =	vld [tilespmem:$0x1DF60]  }
0xa6: {  	v24 =	vld [tilespmem:s25+$0x17A70]  }
0xa7: {  	v18 =	vadd.f32 v22, v18;
	v22 =	vld [tilespmem:s26+$0x17A10]  }
0xa8: {  	v19 =	vadd.f32 v19, v21;
	v21 =	vld [tilespmem:s31+$0x11630]  }
0xa9: {  	[tilespmem:s28+$0xB240] =	vst v18;
	v18 =	vld [tilespmem:s28+$0xB250];
	v17 =	vadd.f32 v17, v20  }
0xaa: {  	v25 =	vld [tilespmem:$0x1DE50];
	[tilespmem:s31+$0x11620] =	vst v19;
	v16 =	vadd.f32 v16, v23  }
0xab: {  	v19 =	vld [tilespmem:$0x1DEB0];
	[tilespmem:s26+$0x17A00] =	vst v17  }
0xac: {  	v23 =	vld [tilespmem:$0x1DF10];
	[tilespmem:s25+$0x17A60] =	vst v16  }
0xad: {  	v26 =	vld [tilespmem:$0x1DF70]  }
0xae: {  	v20 =	vld [tilespmem:$0x1DE00]  }
0xaf: {  	v18 =	vadd.f32 v25, v18;
	v16 =	vld [tilespmem:s26+$0x17A20]  }
.Ltmp0:
0xb0: {  	v21 =	vadd.f32 v19, v21;
	v17 =	vld [tilespmem:s31+$0x11640];
	(pc) =	sbr.rel @p0 .LBB2_2-.Ltmp0, $4  }
0xb1: {  	s29 =	sshra.s32 s30, $0x2;
	[tilespmem:s28+$0xB250] =	vst v18;
	v19 =	vld [tilespmem:s28+$0xB260];
	v18 =	vadd.f32 v23, v22  }
0xb2: {  	v22 =	vld [tilespmem:s29+$0xB200];
	[tilespmem:s31+$0x11630] =	vst v21;
	v23 =	vadd.f32 v26, v24  }
0xb3: {  	v21 =	vld [tilespmem:$0x1DE60];
	[tilespmem:s26+$0x17A10] =	vst v18  }
0xb4: {  	s30 =	sadd.s32 $0x200, s30;
	v18 =	vld [tilespmem:$0x1DEC0];
	[tilespmem:s25+$0x17A70] =	vst v23;
	s25 =	smov.u32 s26;
	s26 =	smov.u32 s31  }
0xb5: {  	_ =	sdelay $0x1  }
0xb6: {  	v20 =	vadd.f32 v20, v22;
	_ =	sdelay $0x1  }
0xb7: {  	v45 =	vld [tilespmem:s29+$0xB210];
	[tilespmem:s29+$0xB200] =	vst v20  }
0xb8: {  	v46 =	vld [tilespmem:$0x1DE10];
	_ =	sdelay $0x4  }
0xb9: {  	v20 =	vadd.f32 v46, v45;
	_ =	sdelay $0x1  }
0xba: {  	v47 =	vld [tilespmem:s29+$0xB220];
	[tilespmem:s29+$0xB210] =	vst v20  }
0xbb: {  	v48 =	vld [tilespmem:$0x1DE20];
	_ =	sdelay $0x4  }
0xbc: {  	v20 =	vadd.f32 v48, v47;
	_ =	sdelay $0x1  }
0xbd: {  	v49 =	vld [tilespmem:s29+$0xB230];
	[tilespmem:s29+$0xB220] =	vst v20  }
0xbe: {  	v50 =	vld [tilespmem:$0x1DE30];
	_ =	sdelay $0x4  }
0xbf: {  	v20 =	vadd.f32 v50, v49;
	_ =	sdelay $0x1  }
0xc0: {  	v51 =	vld [tilespmem:s29+$0xB240];
	[tilespmem:s29+$0xB230] =	vst v20  }
0xc1: {  	v52 =	vld [tilespmem:$0x1DE40];
	_ =	sdelay $0x4  }
0xc2: {  	v20 =	vadd.f32 v52, v51;
	_ =	sdelay $0x1  }
0xc3: {  	v53 =	vld [tilespmem:s29+$0xB250];
	[tilespmem:s29+$0xB240] =	vst v20  }
0xc4: {  	v54 =	vld [tilespmem:$0x1DE50];
	_ =	sdelay $0x4  }
0xc5: {  	v20 =	vadd.f32 v54, v53;
	_ =	sdelay $0x1  }
0xc6: {  	v55 =	vld [tilespmem:s29+$0xB260];
	[tilespmem:s29+$0xB250] =	vst v20  }
0xc7: {  	v56 =	vld [tilespmem:$0x1DE60];
	_ =	sdelay $0x3  }
0xc8: {  	v19 =	vadd.f32 v21, v19  }
0xc9: {  	v57 =	vld [tilespmem:s28+$0xB270];
	v20 =	vadd.f32 v56, v55  }
0xca: {  	v58 =	vld [tilespmem:s29+$0xB270];
	[tilespmem:s28+$0xB260] =	vst v19  }
0xcb: {  	v59 =	vld [tilespmem:$0x1DE70];
	[tilespmem:s29+$0xB260] =	vst v20  }
0xcc: {  	v20 =	vld [tilespmem:$0x1DE70];
	_ =	sdelay $0x3  }
0xcd: {  	v21 =	vadd.f32 v59, v57  }
0xce: {  	v60 =	vld [tilespmem:s28+$0x11600];
	v19 =	vadd.f32 v20, v58  }
0xcf: {  	v61 =	vld [tilespmem:s29+$0x11600];
	[tilespmem:s28+$0xB270] =	vst v21  }
0xd0: {  	v21 =	vld [tilespmem:$0x1DE80];
	[tilespmem:s29+$0xB270] =	vst v19  }
0xd1: {  	v19 =	vld [tilespmem:$0x1DE80];
	_ =	sdelay $0x3  }
0xd2: {  	v21 =	vadd.f32 v21, v60  }
0xd3: {  	v62 =	vld [tilespmem:s28+$0x11610];
	v19 =	vadd.f32 v19, v61  }
0xd4: {  	v63 =	vld [tilespmem:s29+$0x11610];
	[tilespmem:s28+$0x11600] =	vst v21  }
0xd5: {  	v21 =	vld [tilespmem:$0x1DE90];
	[tilespmem:s29+$0x11600] =	vst v19  }
0xd6: {  	v19 =	vld [tilespmem:$0x1DE90];
	_ =	sdelay $0x3  }
0xd7: {  	v21 =	vadd.f32 v21, v62  }
0xd8: {  	v24 =	vld [tilespmem:s28+$0x11620];
	v19 =	vadd.f32 v19, v63  }
0xd9: {  	v25 =	vld [tilespmem:s29+$0x11620];
	[tilespmem:s28+$0x11610] =	vst v21  }
0xda: {  	v21 =	vld [tilespmem:$0x1DEA0];
	[tilespmem:s29+$0x11610] =	vst v19  }
0xdb: {  	v19 =	vld [tilespmem:$0x1DEA0];
	_ =	sdelay $0x3  }
0xdc: {  	v21 =	vadd.f32 v21, v24  }
0xdd: {  	v26 =	vld [tilespmem:s28+$0x11630];
	v19 =	vadd.f32 v19, v25  }
0xde: {  	v27 =	vld [tilespmem:s29+$0x11630];
	[tilespmem:s28+$0x11620] =	vst v21  }
0xdf: {  	v21 =	vld [tilespmem:$0x1DEB0];
	[tilespmem:s29+$0x11620] =	vst v19  }
0xe0: {  	v19 =	vld [tilespmem:$0x1DEB0];
	_ =	sdelay $0x3  }
0xe1: {  	v21 =	vadd.f32 v21, v26  }
0xe2: {  	v28 =	vld [tilespmem:s28+$0x11640];
	v19 =	vadd.f32 v19, v27  }
0xe3: {  	v29 =	vld [tilespmem:s29+$0x11640];
	[tilespmem:s28+$0x11630] =	vst v21  }
0xe4: {  	v21 =	vld [tilespmem:$0x1DEC0];
	[tilespmem:s29+$0x11630] =	vst v19  }
0xe5: {  	v19 =	vld [tilespmem:$0x1DEC0];
	_ =	sdelay $0x2  }
0xe6: {  	v30 =	vld [tilespmem:s26+$0x11650];
	v17 =	vadd.f32 v18, v17  }
0xe7: {  	v31 =	vld [tilespmem:s28+$0x11650];
	v21 =	vadd.f32 v21, v28  }
0xe8: {  	v32 =	vld [tilespmem:s29+$0x11650];
	[tilespmem:s26+$0x11640] =	vst v17;
	v19 =	vadd.f32 v19, v29  }
0xe9: {  	v17 =	vld [tilespmem:$0x1DED0];
	[tilespmem:s28+$0x11640] =	vst v21  }
0xea: {  	v21 =	vld [tilespmem:$0x1DED0];
	[tilespmem:s29+$0x11640] =	vst v19  }
0xeb: {  	v19 =	vld [tilespmem:$0x1DED0];
	_ =	sdelay $0x2  }
0xec: {  	v33 =	vld [tilespmem:s26+$0x11660];
	v17 =	vadd.f32 v17, v30  }
0xed: {  	v34 =	vld [tilespmem:s28+$0x11660];
	v21 =	vadd.f32 v21, v31  }
0xee: {  	v35 =	vld [tilespmem:s29+$0x11660];
	[tilespmem:s26+$0x11650] =	vst v17;
	v19 =	vadd.f32 v19, v32  }
0xef: {  	v17 =	vld [tilespmem:$0x1DEE0];
	[tilespmem:s28+$0x11650] =	vst v21  }
0xf0: {  	v21 =	vld [tilespmem:$0x1DEE0];
	[tilespmem:s29+$0x11650] =	vst v19  }
0xf1: {  	v19 =	vld [tilespmem:$0x1DEE0];
	_ =	sdelay $0x2  }
0xf2: {  	v36 =	vld [tilespmem:s26+$0x11670];
	v17 =	vadd.f32 v17, v33  }
0xf3: {  	v37 =	vld [tilespmem:s28+$0x11670];
	v21 =	vadd.f32 v21, v34  }
0xf4: {  	v38 =	vld [tilespmem:s29+$0x11670];
	[tilespmem:s26+$0x11660] =	vst v17;
	v19 =	vadd.f32 v19, v35  }
0xf5: {  	v17 =	vld [tilespmem:$0x1DEF0];
	[tilespmem:s28+$0x11660] =	vst v21  }
0xf6: {  	v21 =	vld [tilespmem:$0x1DEF0];
	[tilespmem:s29+$0x11660] =	vst v19  }
0xf7: {  	v19 =	vld [tilespmem:$0x1DEF0];
	_ =	sdelay $0x2  }
0xf8: {  	v39 =	vld [tilespmem:s26+$0x17A00];
	v17 =	vadd.f32 v17, v36  }
0xf9: {  	v40 =	vld [tilespmem:s28+$0x17A00];
	v21 =	vadd.f32 v21, v37  }
0xfa: {  	v41 =	vld [tilespmem:s29+$0x17A00];
	[tilespmem:s26+$0x11670] =	vst v17;
	v19 =	vadd.f32 v19, v38  }
0xfb: {  	v17 =	vld [tilespmem:$0x1DF00];
	[tilespmem:s28+$0x11670] =	vst v21  }
0xfc: {  	v21 =	vld [tilespmem:$0x1DF00];
	[tilespmem:s29+$0x11670] =	vst v19  }
0xfd: {  	v19 =	vld [tilespmem:$0x1DF00];
	_ =	sdelay $0x2  }
0xfe: {  	v42 =	vld [tilespmem:s26+$0x17A10];
	v17 =	vadd.f32 v17, v39  }
0xff: {  	v43 =	vld [tilespmem:s28+$0x17A10];
	v21 =	vadd.f32 v21, v40  }
0x100: {  	v44 =	vld [tilespmem:s29+$0x17A10];
	[tilespmem:s26+$0x17A00] =	vst v17;
	v19 =	vadd.f32 v19, v41  }
0x101: {  	v17 =	vld [tilespmem:$0x1DF10];
	[tilespmem:s28+$0x17A00] =	vst v21  }
0x102: {  	v21 =	vld [tilespmem:$0x1DF10];
	[tilespmem:s29+$0x17A00] =	vst v19  }
0x103: {  	v19 =	vld [tilespmem:$0x1DF10];
	_ =	sdelay $0x1  }
0x104: {  	v23 =	vld [tilespmem:$0x1DF20]  }
0x105: {  	v45 =	vld [tilespmem:s26+$0x17A20];
	v17 =	vadd.f32 v17, v42  }
0x106: {  	v46 =	vld [tilespmem:s28+$0x17A20];
	v21 =	vadd.f32 v21, v43  }
0x107: {  	v47 =	vld [tilespmem:s29+$0x17A20];
	[tilespmem:s26+$0x17A10] =	vst v17;
	v19 =	vadd.f32 v19, v44  }
0x108: {  	v17 =	vld [tilespmem:$0x1DF20];
	[tilespmem:s28+$0x17A10] =	vst v21  }
0x109: {  	v16 =	vadd.f32 v23, v16;
	v21 =	vld [tilespmem:$0x1DF20];
	[tilespmem:s29+$0x17A10] =	vst v19  }
0x10a: {  	v19 =	vld [tilespmem:$0x1DF20]  }
0x10b: {  	[tilespmem:s25+$0x17A20] =	vst v16;
	v48 =	vld [tilespmem:s25+$0x17A30]  }
0x10c: {  	v49 =	vld [tilespmem:$0x1DF30]  }
0x10d: {  	v16 =	vld [tilespmem:s26+$0x17A30];
	v17 =	vadd.f32 v17, v45  }
0x10e: {  	v50 =	vld [tilespmem:s28+$0x17A30];
	v21 =	vadd.f32 v21, v46  }
0x10f: {  	v51 =	vld [tilespmem:s29+$0x17A30];
	[tilespmem:s26+$0x17A20] =	vst v17;
	v19 =	vadd.f32 v19, v47  }
0x110: {  	v17 =	vld [tilespmem:$0x1DF30];
	[tilespmem:s28+$0x17A20] =	vst v21  }
0x111: {  	v18 =	vadd.f32 v49, v48;
	v21 =	vld [tilespmem:$0x1DF30];
	[tilespmem:s29+$0x17A20] =	vst v19  }
0x112: {  	v19 =	vld [tilespmem:$0x1DF30]  }
0x113: {  	[tilespmem:s25+$0x17A30] =	vst v18;
	v52 =	vld [tilespmem:s25+$0x17A40]  }
0x114: {  	v18 =	vld [tilespmem:$0x1DF40]  }
0x115: {  	v53 =	vld [tilespmem:s28+$0x17A40];
	v16 =	vadd.f32 v17, v16  }
0x116: {  	v54 =	vld [tilespmem:s29+$0x17A40];
	v21 =	vadd.f32 v21, v50  }
0x117: {  	v17 =	vld [tilespmem:s26+$0x17A40];
	[tilespmem:s26+$0x17A30] =	vst v16;
	v19 =	vadd.f32 v19, v51  }
0x118: {  	v16 =	vld [tilespmem:$0x1DF40];
	[tilespmem:s28+$0x17A30] =	vst v21  }
0x119: {  	v18 =	vadd.f32 v18, v52;
	v21 =	vld [tilespmem:$0x1DF40];
	[tilespmem:s29+$0x17A30] =	vst v19  }
0x11a: {  	v19 =	vld [tilespmem:$0x1DF40]  }
0x11b: {  	v57 =	vld [tilespmem:s29+$0x17A50];
	[tilespmem:s25+$0x17A40] =	vst v18  }
0x11c: {  	v18 =	vld [tilespmem:$0x1DF50]  }
0x11d: {  	v55 =	vld [tilespmem:s25+$0x17A50];
	v16 =	vadd.f32 v16, v17  }
0x11e: {  	v56 =	vld [tilespmem:s28+$0x17A50];
	v21 =	vadd.f32 v21, v53  }
0x11f: {  	v17 =	vld [tilespmem:s26+$0x17A50];
	[tilespmem:s26+$0x17A40] =	vst v16;
	v19 =	vadd.f32 v19, v54  }
0x120: {  	v16 =	vld [tilespmem:$0x1DF50];
	[tilespmem:s28+$0x17A40] =	vst v21  }
0x121: {  	v21 =	vld [tilespmem:$0x1DF50];
	[tilespmem:s29+$0x17A40] =	vst v19  }
0x122: {  	v18 =	vadd.f32 v18, v55;
	v19 =	vld [tilespmem:$0x1DF50]  }
0x123: {  	v59 =	vld [tilespmem:s28+$0x17A60]  }
0x124: {  	[tilespmem:s25+$0x17A50] =	vst v18;
	v58 =	vld [tilespmem:s25+$0x17A60]  }
0x125: {  	v18 =	vld [tilespmem:$0x1DF60];
	v16 =	vadd.f32 v16, v17  }
0x126: {  	v60 =	vld [tilespmem:s29+$0x17A60];
	v21 =	vadd.f32 v21, v56  }
0x127: {  	v17 =	vld [tilespmem:s26+$0x17A60];
	[tilespmem:s26+$0x17A50] =	vst v16;
	v19 =	vadd.f32 v19, v57  }
0x128: {  	v16 =	vld [tilespmem:$0x1DF60];
	[tilespmem:s28+$0x17A50] =	vst v21  }
0x129: {  	v21 =	vld [tilespmem:$0x1DF60];
	[tilespmem:s29+$0x17A50] =	vst v19  }
0x12a: {  	v18 =	vadd.f32 v18, v58;
	v19 =	vld [tilespmem:$0x1DF60]  }
0x12b: {  	v62 =	vld [tilespmem:s28+$0x17A70]  }
0x12c: {  	[tilespmem:s25+$0x17A60] =	vst v18;
	v61 =	vld [tilespmem:s25+$0x17A70]  }
0x12d: {  	v18 =	vld [tilespmem:$0x1DF70];
	v16 =	vadd.f32 v16, v17  }
0x12e: {  	v63 =	vld [tilespmem:s29+$0x17A70];
	v21 =	vadd.f32 v21, v59  }
0x12f: {  	v17 =	vld [tilespmem:s26+$0x17A70];
	[tilespmem:s26+$0x17A60] =	vst v16;
	v19 =	vadd.f32 v19, v60  }
0x130: {  	v16 =	vld [tilespmem:$0x1DF70];
	[tilespmem:s28+$0x17A60] =	vst v21  }
0x131: {  	v21 =	vld [tilespmem:$0x1DF70];
	[tilespmem:s29+$0x17A60] =	vst v19  }
0x132: {  	v19 =	vld [tilespmem:$0x1DF70];
	_ =	sdelay $0x1  }
0x133: {  	v18 =	vadd.f32 v18, v61  }
0x134: {  	v16 =	vadd.f32 v16, v17  }
0x135: {  	[tilespmem:s25+$0x17A70] =	vst v18;
	v17 =	vadd.f32 v21, v62  }
0x136: {  	[tilespmem:s26+$0x17A70] =	vst v16;
	v16 =	vadd.f32 v19, v63  }
0x137: {  	[tilespmem:s28+$0x17A70] =	vst v17  }
0x138: {  	s25 =	simm.s32 $0x0;
	s26 =	simm.s32 $0x0;
	[tilespmem:s29+$0x17A70] =	vst v16  }
0x139: {  	[tilespmem:s18], [sflag:$0x1] =	stream.indirect.gather [hbm4b:s1+s17], $0x80, s25, s17, $0xb8;
	[tilespmem:$0x1E000] =	vst v63  }
.LBB2_4:
0x13a: {  	p0 =	seq.s32 s26, $0x0  }
0x13b: {  	s3 =	simm.s32 @!p0 $0x4  }
0x13c: {  	s29 =	sshllo.u32 s26, $0x1;
	_ =	swait.ge @!p0 [sflag:s3], $0x4000  }
0x13d: {  	s31 =	sshll.u32 s26, $0x8;
	s28 =	sshll.u32 s29, $0x9;
	[sflag:s3] =	ssyncset.done @!p0 $0x0  }
0x13e: {  	s30 =	sadd.s32 s6, s31;
	s28 =	sshrl.u32 s28, $0x2;
	[sflag:s3] =	ssyncadd.s32 @!p0 $0xFFFFC000  }
0x13f: {  	[tilespmem:s19], [sflag:$0x2] =	stream.indirect.gather [hbm4b:s1+s17], $0x80, s28, s17, $0xb8;
	[tilespmem:$0x1E000] =	vst v63  }
0x140: {  	v16 =	vor.u32 s30, v0;
	v17 =	vld [tilespmem:s31+$0x1900]  }
0x141: {  	v18 =	vmulhi.u32 $0x51EB851F, v16;
	_ =	sdelay $0x1  }
0x142: {  	v18 =	vshrl.u32 v18, $0x6  }
0x143: {  	v19 =	vor.u32 s30, v1;
	v18 =	vmul.u32 $0xC8, v18  }
0x144: {  	s12 =	simm.s32 $0x3;
	v20 =	vmulhi.u32 $0x51EB851F, v19;
	v21 =	vld [tilespmem:s31+$0x1910];
	v17 =	vmul.u32 $0xC8, v17  }
0x145: {  	s0 =	simm.s32 $0x5;
	v27 =	vadd.s32 s12, v0;
	v22 =	vld [tilespmem:s31+$0x1920];
	v16 =	vsub.s32 v16, v18  }
0x146: {  	v23 =	vld [tilespmem:s31+$0x1930];
	v18 =	vshrl.u32 v20, $0x6;
	v16 =	vadd.s32 v16, v17;
	v17 =	vadd.s32 s0, v0  }
0x147: {  	s3 =	simm.s32 $0x4;
	v28 =	vld [tilespmem:s31+$0x1940];
	v20 =	vmul.u32 $0xC8, v18;
	v18 =	vshll.u32 v16, $0x7;
	v29 =	vand.u32 $0x7F, v17  }
0x148: {  	s2 =	simm.s32 $0x7;
	v27 =	vand.u32 $0x7F, v27;
	v31 =	vadd.s32 s3, v0;
	v24 =	vld [tilespmem:s31+$0x1950];
	v32 =	vor.u32 v18, v29  }
0x149: {  	v25 =	vld [tilespmem:s31+$0x1960];
	v31 =	vand.u32 $0x7F, v31;
	s0 =	simm.s32 $0x6;
	v16 =	vadd.s32 s2, v0;
	v35 =	vor.u32 v18, v27  }
0x14a: {  	v26 =	vld [tilespmem:s31+$0x1970];
	_ =	swait.ge [sflag:s20], $0x4000;
	v17 =	vadd.s32 s0, v0;
	s2 =	simm.s32 $0x2;
	v16 =	vand.u32 $0x7F, v16;
	v37 =	vor.u32 v18, v31  }
0x14b: {  	[sflag:s20] =	ssyncset.done $0x0;
	v17 =	vand.u32 $0x7F, v17;
	v30 =	vadd.s32 s2, v0;
	v33 =	vor.u32 v18, v16  }
0x14c: {  	[sflag:s20] =	ssyncadd.s32 $0xFFFFC000;
	v34 =	vor.u32 v18, v17;
	v30 =	vand.u32 $0x7F, v30  }
0x14d: {  	v36 =	vor.u32 v18, v30;
	v32 =	vld.idx.msk [tilespmem:v32+s14+$0x0], $0xffff  }
0x14e: {  	v43 =	vor.u32 v3, v27;
	v21 =	vmul.u32 $0xC8, v21;
	v35 =	vld.idx.msk [tilespmem:v35+s14+$0x0], $0xffff  }
0x14f: {  	v19 =	vsub.s32 v19, v20;
	v55 =	vor.u32 v3, v29;
	v37 =	vld.idx.msk [tilespmem:v37+s14+$0x0], $0xffff  }
0x150: {  	v19 =	vadd.s32 v19, v21;
	v21 =	vor.u32 v3, v16;
	v33 =	vld.idx.msk [tilespmem:v33+s14+$0x0], $0xffff  }
0x151: {  	v20 =	vshll.u32 v19, $0x7;
	v19 =	vor.u32 v3, v17;
	v34 =	vld.idx.msk [tilespmem:v34+s14+$0x0], $0xffff  }
0x152: {  	v38 =	vor.u32 v20, v16;
	v36 =	vld.idx.msk [tilespmem:v36+s14+$0x0], $0xffff  }
0x153: {  	v39 =	vor.u32 v3, v30;
	[tilespmem:v43+s18+$0x0] =	vst.idx.add.f32.msk $0xffff, v35  }
0x154: {  	v52 =	vor.u32 v20, v17;
	[tilespmem:v55+s18+$0x0] =	vst.idx.add.f32.msk $0xffff, v32  }
0x155: {  	v53 =	vor.u32 v20, v27;
	[tilespmem:v21+s18+$0x0] =	vst.idx.add.f32.msk $0xffff, v33  }
0x156: {  	v42 =	vadd.s32 s25, v0;
	v41 =	vor.u32 s30, v2;
	v40 =	vor.u32 v20, v30;
	[tilespmem:v19+s18+$0x0] =	vst.idx.add.f32.msk $0xffff, v34  }
0x157: {  	v51 =	vmulhi.u32 $0x51EB851F, v41;
	v21 =	vor.u32 v3, v31;
	v19 =	vand.u32 $0x7F, v42;
	v38 =	vld.idx.msk [tilespmem:v38+s14+$0x0], $0xffff  }
0x158: {  	v42 =	vor.u32 v18, v19;
	[tilespmem:v39+s18+$0x0] =	vst.idx.add.f32.msk $0xffff, v36  }
0x159: {  	v56 =	vor.u32 v20, v31;
	v33 =	vshrl.u32 v51, $0x6;
	v34 =	vld.idx.msk [tilespmem:v52+s14+$0x0], $0xffff  }
0x15a: {  	v54 =	vor.u32 v9, v16;
	v33 =	vmul.u32 $0xC8, v33;
	v36 =	vld.idx.msk [tilespmem:v53+s14+$0x0], $0xffff  }
0x15b: {  	v61 =	vor.u32 v9, v27;
	v22 =	vmul.u32 $0xC8, v22;
	v39 =	vld.idx.msk [tilespmem:v40+s14+$0x0], $0xffff  }
0x15c: {  	v59 =	vor.u32 v9, v30;
	[tilespmem:v21+s18+$0x0] =	vst.idx.add.f32.msk $0xffff, v37;
	v21 =	vsub.s32 v41, v33  }
0x15d: {  	v21 =	vadd.s32 v21, v22;
	v22 =	vor.u32 v20, v29;
	v37 =	vld.idx.msk [tilespmem:v42+s14+$0x0], $0xffff  }
0x15e: {  	v44 =	vor.u32 v9, v31;
	v35 =	vld.idx.msk [tilespmem:v56+s14+$0x0], $0xffff;
	v21 =	vshll.u32 v21, $0x7  }
0x15f: {  	[tilespmem:v54+s18+$0x0] =	vst.idx.add.f32.msk $0xffff, v38;
	v57 =	vor.u32 v21, v16  }
0x160: {  	s12 =	simm.s32 $0x1;
	v58 =	vor.u32 s30, v4;
	[tilespmem:v61+s18+$0x0] =	vst.idx.add.f32.msk $0xffff, v36;
	v62 =	vor.u32 v21, v30  }
0x161: {  	v60 =	vmulhi.u32 $0x51EB851F, v58;
	v53 =	vadd.s32 s12, v0;
	[tilespmem:v59+s18+$0x0] =	vst.idx.add.f32.msk $0xffff, v39;
	v50 =	vor.u32 v21, v27  }
0x162: {  	v32 =	vand.u32 $0x7F, v53;
	v53 =	vor.u32 v21, v31;
	v33 =	vld.idx.msk [tilespmem:v22+s14+$0x0], $0xffff  }
0x163: {  	v63 =	vor.u32 v9, v29;
	v22 =	vshrl.u32 v60, $0x6;
	[tilespmem:v44+s18+$0x0] =	vst.idx.add.f32.msk $0xffff, v35  }
0x164: {  	v45 =	vor.u32 v21, v29;
	v22 =	vmul.u32 $0xC8, v22;
	v41 =	vld.idx.msk [tilespmem:v57+s14+$0x0], $0xffff  }
0x165: {  	v23 =	vmul.u32 $0xC8, v23;
	v48 =	vor.u32 v10, v16;
	v49 =	vld.idx.msk [tilespmem:v62+s14+$0x0], $0xffff  }
0x166: {  	v54 =	vor.u32 v10, v30;
	v40 =	vld.idx.msk [tilespmem:v50+s14+$0x0], $0xffff;
	v22 =	vsub.s32 v58, v22  }
0x167: {  	v35 =	vld.idx.msk [tilespmem:v53+s14+$0x0], $0xffff;
	v22 =	vadd.s32 v22, v23;
	v23 =	vor.u32 v9, v17  }
0x168: {  	v61 =	vor.u32 v21, v17;
	[tilespmem:v63+s18+$0x0] =	vst.idx.add.f32.msk $0xffff, v33  }
0x169: {  	v22 =	vshll.u32 v22, $0x7;
	v63 =	vor.u32 v10, v27;
	v55 =	vld.idx.msk [tilespmem:v45+s14+$0x0], $0xffff  }
0x16a: {  	v51 =	vor.u32 v22, v16;
	[tilespmem:v48+s18+$0x0] =	vst.idx.add.f32.msk $0xffff, v41  }
0x16b: {  	v57 =	vor.u32 v10, v29;
	[tilespmem:v54+s18+$0x0] =	vst.idx.add.f32.msk $0xffff, v49  }
0x16c: {  	v52 =	vor.u32 s30, v5;
	v60 =	vor.u32 v22, v30;
	[tilespmem:v23+s18+$0x0] =	vst.idx.add.f32.msk $0xffff, v34  }
0x16d: {  	v56 =	vmulhi.u32 $0x51EB851F, v52;
	v59 =	vor.u32 v22, v29;
	v43 =	vld.idx.msk [tilespmem:v61+s14+$0x0], $0xffff  }
0x16e: {  	v58 =	vor.u32 v18, v32;
	[tilespmem:v63+s18+$0x0] =	vst.idx.add.f32.msk $0xffff, v40  }
0x16f: {  	v23 =	vshrl.u32 v56, $0x6;
	v61 =	vor.u32 v10, v31;
	v33 =	vld.idx.msk [tilespmem:v51+s14+$0x0], $0xffff  }
0x170: {  	v62 =	vor.u32 v11, v16;
	v23 =	vmul.u32 $0xC8, v23;
	[tilespmem:v57+s18+$0x0] =	vst.idx.add.f32.msk $0xffff, v55  }
0x171: {  	v28 =	vmul.u32 $0xC8, v28;
	v50 =	vor.u32 v11, v30;
	v41 =	vld.idx.msk [tilespmem:v60+s14+$0x0], $0xffff  }
0x172: {  	v51 =	vor.u32 v10, v17;
	v23 =	vsub.s32 v52, v23;
	v34 =	vld.idx.msk [tilespmem:v59+s14+$0x0], $0xffff  }
0x173: {  	v57 =	vor.u32 v3, v19;
	v23 =	vadd.s32 v23, v28;
	v28 =	vld.idx.msk [tilespmem:v58+s14+$0x0], $0xffff  }
0x174: {  	v60 =	vor.u32 v22, v27;
	[tilespmem:v61+s18+$0x0] =	vst.idx.add.f32.msk $0xffff, v35  }
0x175: {  	v55 =	vor.u32 v11, v29;
	[tilespmem:v62+s18+$0x0] =	vst.idx.add.f32.msk $0xffff, v33  }
0x176: {  	v63 =	vor.u32 v22, v31;
	[tilespmem:v50+s18+$0x0] =	vst.idx.add.f32.msk $0xffff, v41  }
0x177: {  	v48 =	vor.u32 v3, v32;
	[tilespmem:v51+s18+$0x0] =	vst.idx.add.f32.msk $0xffff, v43  }
0x178: {  	v58 =	vor.u32 v22, v17;
	[tilespmem:v57+s18+$0x0] =	vst.idx.add.f32.msk $0xffff, v37  }
0x179: {  	v54 =	vor.u32 v20, v32;
	v23 =	vshll.u32 v23, $0x7;
	v43 =	vld.idx.msk [tilespmem:v60+s14+$0x0], $0xffff  }
0x17a: {  	v49 =	vor.u32 v23, v16;
	[tilespmem:v55+s18+$0x0] =	vst.idx.add.f32.msk $0xffff, v34  }
0x17b: {  	v52 =	vor.u32 v23, v30;
	v55 =	vld.idx.msk [tilespmem:v63+s14+$0x0], $0xffff  }
0x17c: {  	v56 =	vor.u32 v23, v29;
	[tilespmem:v48+s18+$0x0] =	vst.idx.add.f32.msk $0xffff, v28  }
0x17d: {  	v59 =	vor.u32 v20, v19;
	v48 =	vld.idx.msk [tilespmem:v58+s14+$0x0], $0xffff  }
0x17e: {  	v60 =	vor.u32 v11, v27;
	v36 =	vld.idx.msk [tilespmem:v54+s14+$0x0], $0xffff  }
0x17f: {  	v57 =	vor.u32 v11, v31;
	v28 =	vld.idx.msk [tilespmem:v49+s14+$0x0], $0xffff  }
0x180: {  	v61 =	vor.u32 v23, v27;
	v33 =	vld.idx.msk [tilespmem:v52+s14+$0x0], $0xffff  }
0x181: {  	v51 =	vor.u32 v11, v17;
	v38 =	vld.idx.msk [tilespmem:v56+s14+$0x0], $0xffff  }
0x182: {  	v50 =	vor.u32 v9, v32;
	v49 =	vld.idx.msk [tilespmem:v59+s14+$0x0], $0xffff  }
0x183: {  	v62 =	vor.u32 v12, v29;
	[tilespmem:v60+s18+$0x0] =	vst.idx.add.f32.msk $0xffff, v43  }
0x184: {  	v52 =	vor.u32 v23, v17;
	[tilespmem:v57+s18+$0x0] =	vst.idx.add.f32.msk $0xffff, v55  }
0x185: {  	v53 =	vor.u32 v9, v19;
	v34 =	vld.idx.msk [tilespmem:v61+s14+$0x0], $0xffff  }
0x186: {  	v54 =	vor.u32 v21, v32;
	v56 =	vor.u32 s30, v6;
	[tilespmem:v51+s18+$0x0] =	vst.idx.add.f32.msk $0xffff, v48  }
0x187: {  	v59 =	vor.u32 v23, v31;
	v58 =	vmulhi.u32 $0x51EB851F, v56;
	[tilespmem:v50+s18+$0x0] =	vst.idx.add.f32.msk $0xffff, v36  }
0x188: {  	v63 =	vor.u32 v12, v30;
	[tilespmem:v62+s18+$0x0] =	vst.idx.add.f32.msk $0xffff, v38  }
0x189: {  	v55 =	vor.u32 v12, v27;
	v39 =	vshrl.u32 v58, $0x6;
	v44 =	vld.idx.msk [tilespmem:v52+s14+$0x0], $0xffff  }
0x18a: {  	v39 =	vmul.u32 $0xC8, v39;
	[tilespmem:v53+s18+$0x0] =	vst.idx.add.f32.msk $0xffff, v49;
	v62 =	vor.u32 v12, v17  }
0x18b: {  	v24 =	vmul.u32 $0xC8, v24;
	v35 =	vld.idx.msk [tilespmem:v54+s14+$0x0], $0xffff;
	v49 =	vor.u32 v10, v32  }
0x18c: {  	v50 =	vld.idx.msk [tilespmem:v59+s14+$0x0], $0xffff;
	v52 =	vor.u32 v12, v31;
	v48 =	vsub.s32 v56, v39  }
0x18d: {  	v54 =	vor.u32 v21, v19;
	[tilespmem:v63+s18+$0x0] =	vst.idx.add.f32.msk $0xffff, v33;
	v24 =	vadd.s32 v48, v24  }
0x18e: {  	v51 =	vor.u32 v22, v32;
	[tilespmem:v55+s18+$0x0] =	vst.idx.add.f32.msk $0xffff, v34;
	v24 =	vshll.u32 v24, $0x7  }
0x18f: {  	v53 =	vor.u32 v24, v31;
	[tilespmem:v62+s18+$0x0] =	vst.idx.add.f32.msk $0xffff, v44  }
0x190: {  	v56 =	vor.u32 v24, v27;
	[tilespmem:v49+s18+$0x0] =	vst.idx.add.f32.msk $0xffff, v35  }
0x191: {  	v59 =	vor.u32 s30, v7;
	v63 =	vor.u32 v24, v29;
	[tilespmem:v52+s18+$0x0] =	vst.idx.add.f32.msk $0xffff, v50  }
0x192: {  	v61 =	vmulhi.u32 $0x51EB851F, v59;
	v41 =	vld.idx.msk [tilespmem:v54+s14+$0x0], $0xffff;
	v62 =	vor.u32 v24, v30  }
0x193: {  	v47 =	vor.u32 v10, v19;
	v35 =	vld.idx.msk [tilespmem:v51+s14+$0x0], $0xffff  }
0x194: {  	v57 =	vor.u32 v11, v32;
	v45 =	vshrl.u32 v61, $0x6;
	v39 =	vld.idx.msk [tilespmem:v53+s14+$0x0], $0xffff  }
0x195: {  	v36 =	vmul.u32 $0xC8, v45;
	v50 =	vor.u32 v22, v19;
	v33 =	vld.idx.msk [tilespmem:v56+s14+$0x0], $0xffff  }
0x196: {  	v25 =	vmul.u32 $0xC8, v25;
	v58 =	vor.u32 v23, v32;
	v34 =	vld.idx.msk [tilespmem:v63+s14+$0x0], $0xffff  }
0x197: {  	v60 =	vor.u32 v13, v31;
	v36 =	vsub.s32 v59, v36;
	v40 =	vld.idx.msk [tilespmem:v62+s14+$0x0], $0xffff  }
0x198: {  	v46 =	vor.u32 v13, v27;
	v25 =	vadd.s32 v36, v25;
	[tilespmem:v47+s18+$0x0] =	vst.idx.add.f32.msk $0xffff, v41  }
0x199: {  	v52 =	vor.u32 s30, v8;
	v51 =	vor.u32 v13, v29;
	v25 =	vshll.u32 v25, $0x7;
	[tilespmem:v57+s18+$0x0] =	vst.idx.add.f32.msk $0xffff, v35  }
0x19a: {  	v54 =	vmulhi.u32 $0x51EB851F, v52;
	v53 =	vor.u32 v25, v27;
	v36 =	vld.idx.msk [tilespmem:v50+s14+$0x0], $0xffff  }
0x19b: {  	v56 =	vor.u32 v25, v29;
	v38 =	vld.idx.msk [tilespmem:v58+s14+$0x0], $0xffff  }
0x19c: {  	v41 =	vshrl.u32 v54, $0x6;
	v54 =	vor.u32 v13, v30;
	[tilespmem:v60+s18+$0x0] =	vst.idx.add.f32.msk $0xffff, v39  }
0x19d: {  	v48 =	vor.u32 v12, v32;
	[tilespmem:v46+s18+$0x0] =	vst.idx.add.f32.msk $0xffff, v33  }
0x19e: {  	v55 =	vor.u32 v25, v31;
	[tilespmem:v51+s18+$0x0] =	vst.idx.add.f32.msk $0xffff, v34  }
0x19f: {  	v49 =	vor.u32 v24, v32;
	v60 =	vld.idx.msk [tilespmem:v53+s14+$0x0], $0xffff  }
0x1a0: {  	v59 =	vor.u32 v11, v19;
	v63 =	vld.idx.msk [tilespmem:v56+s14+$0x0], $0xffff  }
0x1a1: {  	v61 =	vor.u32 v23, v19;
	[tilespmem:v54+s18+$0x0] =	vst.idx.add.f32.msk $0xffff, v40  }
0x1a2: {  	v51 =	vor.u32 v14, v29;
	[tilespmem:v48+s18+$0x0] =	vst.idx.add.f32.msk $0xffff, v38  }
0x1a3: {  	v62 =	vor.u32 v14, v31;
	v38 =	vld.idx.msk [tilespmem:v55+s14+$0x0], $0xffff  }
0x1a4: {  	v57 =	vor.u32 v13, v32;
	v41 =	vmul.u32 $0xC8, v41;
	v39 =	vld.idx.msk [tilespmem:v49+s14+$0x0], $0xffff  }
0x1a5: {  	v26 =	vmul.u32 $0xC8, v26;
	v58 =	vor.u32 v25, v32;
	[tilespmem:v59+s18+$0x0] =	vst.idx.add.f32.msk $0xffff, v36  }
0x1a6: {  	v35 =	vsub.s32 v52, v41;
	v48 =	vor.u32 v14, v27;
	v36 =	vld.idx.msk [tilespmem:v61+s14+$0x0], $0xffff  }
0x1a7: {  	v26 =	vadd.s32 v35, v26;
	v55 =	vor.u32 v25, v30;
	[tilespmem:v51+s18+$0x0] =	vst.idx.add.f32.msk $0xffff, v63  }
0x1a8: {  	v26 =	vshll.u32 v26, $0x7;
	v56 =	vor.u32 v12, v19;
	[tilespmem:v62+s18+$0x0] =	vst.idx.add.f32.msk $0xffff, v38  }
0x1a9: {  	v50 =	vor.u32 v26, v27;
	[tilespmem:v57+s18+$0x0] =	vst.idx.add.f32.msk $0xffff, v39  }
0x1aa: {  	v52 =	vor.u32 v14, v32;
	v49 =	vld.idx.msk [tilespmem:v58+s14+$0x0], $0xffff  }
0x1ab: {  	v53 =	vor.u32 v26, v32;
	[tilespmem:v48+s18+$0x0] =	vst.idx.add.f32.msk $0xffff, v60  }
0x1ac: {  	v35 =	vld.idx.msk [tilespmem:v55+s14+$0x0], $0xffff;
	v60 =	vor.u32 v14, v30  }
0x1ad: {  	[tilespmem:v56+s18+$0x0] =	vst.idx.add.f32.msk $0xffff, v36;
	v57 =	vor.u32 v24, v19  }
0x1ae: {  	v62 =	vor.u32 v15, v27;
	v43 =	vld.idx.msk [tilespmem:v50+s14+$0x0], $0xffff  }
0x1af: {  	v58 =	vor.u32 v24, v17;
	[tilespmem:v52+s18+$0x0] =	vst.idx.add.f32.msk $0xffff, v49  }
0x1b0: {  	v32 =	vor.u32 v15, v32;
	v37 =	vld.idx.msk [tilespmem:v53+s14+$0x0], $0xffff  }
0x1b1: {  	v59 =	vor.u32 v26, v31;
	[tilespmem:v60+s18+$0x0] =	vst.idx.add.f32.msk $0xffff, v35  }
0x1b2: {  	v63 =	vor.u32 v13, v19;
	v61 =	vld.idx.msk [tilespmem:v57+s14+$0x0], $0xffff  }
0x1b3: {  	[tilespmem:v62+s18+$0x0] =	vst.idx.add.f32.msk $0xffff, v43  }
0x1b4: {  	v41 =	vor.u32 v12, v16;
	v34 =	vor.u32 v25, v19;
	v40 =	vor.u32 v14, v19;
	v39 =	vld.idx.msk [tilespmem:v58+s14+$0x0], $0xffff  }
0x1b5: {  	v31 =	vor.u32 v15, v31;
	[tilespmem:v32+s18+$0x0] =	vst.idx.add.f32.msk $0xffff, v37;
	v32 =	vor.u32 v26, v30  }
0x1b6: {  	v33 =	vor.u32 v26, v29;
	v27 =	vor.u32 v24, v16;
	v36 =	vor.u32 v15, v30;
	v30 =	vld.idx.msk [tilespmem:v59+s14+$0x0], $0xffff  }
0x1b7: {  	s31 =	simm.s32 $0x8;
	v38 =	vor.u32 v26, v19;
	[tilespmem:v63+s18+$0x0] =	vst.idx.add.f32.msk $0xffff, v61;
	v37 =	vor.u32 v15, v29  }
.LBB2_5:
0x1b8: {  	s0 =	sadd.s32 $0x1, s31  }
0x1b9: {  	v29 =	vadd.s32 s31, v0;
	s2 =	sadd.s32 $0x5, s31;
	v42 =	vld.idx.msk [tilespmem:v34+s14+$0x0], $0xffff;
	v43 =	vor.u32 v13, v17;
	v44 =	vor.u32 v25, v17;
	s12 =	smov.u32 s31;
	s3 =	sadd.s32 $0x8, s31  }
0x1ba: {  	p0 =	slt.u32 s31, $0x78;
	v45 =	vand.u32 $0x7F, v29;
	v29 =	vadd.s32 s0, v0;
	s0 =	sadd.s32 $0x2, s12;
	v34 =	vadd.s32 s2, v0;
	v46 =	vld.idx.msk [tilespmem:v32+s14+$0x0], $0xffff  }
0x1bb: {  	v32 =	vand.u32 $0x7F, v29;
	v47 =	vadd.s32 s0, v0;
	s0 =	sadd.s32 $0x3, s12;
	v29 =	vand.u32 $0x7F, v34;
	[tilespmem:v31+s18+$0x0] =	vst.idx.add.f32.msk $0xffff, v30  }
0x1bc: {  	s2 =	sadd.s32 $0x4, s12;
	v48 =	vor.u32 v18, v45;
	v35 =	vor.u32 v18, v32;
	v34 =	vor.u32 v22, v29;
	v49 =	vld.idx.msk [tilespmem:v33+s14+$0x0], $0xffff  }
0x1bd: {  	v30 =	vand.u32 $0x7F, v47;
	v31 =	vadd.s32 s0, v0;
	v47 =	vadd.s32 s2, v0;
	[tilespmem:v41+s18+$0x0] =	vst.idx.add.f32.msk $0xffff, v28  }
0x1be: {  	s0 =	sadd.s32 $0x6, s12;
	v41 =	vor.u32 v18, v30;
	v33 =	vand.u32 $0x7F, v31;
	v31 =	vand.u32 $0x7F, v47;
	v47 =	vld.idx.msk [tilespmem:v27+s14+$0x0], $0xffff  }
0x1bf: {  	v50 =	vor.u32 v18, v31;
	v27 =	vadd.s32 s0, v0;
	s0 =	sadd.s32 $0x7, s12;
	[tilespmem:v43+s18+$0x0] =	vst.idx.add.f32.msk $0xffff, v39;
	v39 =	vor.u32 v13, v16  }
0x1c0: {  	v43 =	vor.u32 v18, v29;
	v51 =	vand.u32 $0x7F, v27;
	v27 =	vadd.s32 s0, v0;
	v44 =	vld.idx.msk [tilespmem:v44+s14+$0x0], $0xffff  }
0x1c1: {  	v52 =	vor.u32 v18, v51;
	v53 =	vand.u32 $0x7F, v27;
	[tilespmem:v40+s18+$0x0] =	vst.idx.add.f32.msk $0xffff, v42;
	v40 =	vor.u32 v25, v16  }
0x1c2: {  	v42 =	vor.u32 v18, v53;
	v27 =	vor.u32 v24, v53;
	v38 =	vld.idx.msk [tilespmem:v38+s14+$0x0], $0xffff  }
0x1c3: {  	v28 =	vor.u32 v3, v32;
	[tilespmem:v37+s18+$0x0] =	vst.idx.add.f32.msk $0xffff, v49;
	v37 =	vor.u32 v14, v17  }
0x1c4: {  	v49 =	vor.u32 v18, v33;
	[tilespmem:v39+s18+$0x0] =	vst.idx.add.f32.msk $0xffff, v47  }
0x1c5: {  	v39 =	vor.u32 v3, v30;
	[tilespmem:v36+s18+$0x0] =	vst.idx.add.f32.msk $0xffff, v46;
	v36 =	vor.u32 v26, v17  }
0x1c6: {  	v46 =	vor.u32 v3, v29;
	v40 =	vld.idx.msk [tilespmem:v40+s14+$0x0], $0xffff  }
0x1c7: {  	v54 =	vor.u32 v14, v16;
	v47 =	vor.u32 v3, v51;
	v43 =	vld.idx.msk [tilespmem:v43+s14+$0x0], $0xffff  }
0x1c8: {  	v55 =	vor.u32 v20, v51;
	[tilespmem:v37+s18+$0x0] =	vst.idx.add.f32.msk $0xffff, v44  }
0x1c9: {  	v44 =	vor.u32 v3, v53;
	v37 =	vld.idx.msk [tilespmem:v52+s14+$0x0], $0xffff;
	v52 =	vor.u32 v26, v16  }
0x1ca: {  	v56 =	vor.u32 v20, v53;
	v36 =	vld.idx.msk [tilespmem:v36+s14+$0x0], $0xffff  }
0x1cb: {  	v57 =	vor.u32 v20, v29;
	v49 =	vld.idx.msk [tilespmem:v49+s14+$0x0], $0xffff  }
0x1cc: {  	v59 =	vor.u32 v15, v17;
	v58 =	vor.u32 v3, v33;
	v17 =	vmov v51;
	[tilespmem:v54+s18+$0x0] =	vst.idx.add.f32.msk $0xffff, v40  }
0x1cd: {  	v51 =	vor.u32 v15, v19;
	v19 =	vmov v45;
	v40 =	vor.u32 v20, v30;
	v42 =	vld.idx.msk [tilespmem:v42+s14+$0x0], $0xffff  }
0x1ce: {  	v45 =	vor.u32 v9, v17;
	v52 =	vld.idx.msk [tilespmem:v52+s14+$0x0], $0xffff  }
0x1cf: {  	v54 =	vor.u32 v21, v17;
	v41 =	vld.idx.msk [tilespmem:v41+s14+$0x0], $0xffff  }
0x1d0: {  	v61 =	vor.u32 v15, v16;
	v60 =	vor.u32 v9, v53;
	v16 =	vmov v53;
	v50 =	vld.idx.msk [tilespmem:v50+s14+$0x0], $0xffff  }
0x1d1: {  	v53 =	vor.u32 v9, v29;
	v62 =	vor.u32 v21, v16;
	[tilespmem:v59+s18+$0x0] =	vst.idx.add.f32.msk $0xffff, v36  }
0x1d2: {  	[tilespmem:v51+s18+$0x0] =	vst.idx.add.f32.msk $0xffff, v38  }
0x1d3: {  	v36 =	vor.u32 v21, v29;
	[tilespmem:v44+s18+$0x0] =	vst.idx.add.f32.msk $0xffff, v42  }
0x1d4: {  	v38 =	vor.u32 v3, v31;
	[tilespmem:v47+s18+$0x0] =	vst.idx.add.f32.msk $0xffff, v37  }
0x1d5: {  	v37 =	vor.u32 v10, v17;
	v42 =	vld.idx.msk [tilespmem:v56+s14+$0x0], $0xffff  }
0x1d6: {  	v44 =	vor.u32 v22, v17;
	[tilespmem:v61+s18+$0x0] =	vst.idx.add.f32.msk $0xffff, v52  }
0x1d7: {  	[tilespmem:v39+s18+$0x0] =	vst.idx.add.f32.msk $0xffff, v41;
	v39 =	vor.u32 v20, v33;
	v41 =	vor.u32 v10, v16  }
0x1d8: {  	v47 =	vor.u32 v22, v16;
	v40 =	vld.idx.msk [tilespmem:v40+s14+$0x0], $0xffff  }
0x1d9: {  	[tilespmem:v38+s18+$0x0] =	vst.idx.add.f32.msk $0xffff, v50;
	v38 =	vor.u32 v10, v29  }
0x1da: {  	[tilespmem:v58+s18+$0x0] =	vst.idx.add.f32.msk $0xffff, v49  }
0x1db: {  	v50 =	vor.u32 v11, v29;
	v49 =	vor.u32 v20, v31;
	v51 =	vld.idx.msk [tilespmem:v55+s14+$0x0], $0xffff  }
0x1dc: {  	v52 =	vor.u32 v9, v30;
	v48 =	vld.idx.msk [tilespmem:v48+s14+$0x0], $0xffff  }
0x1dd: {  	v56 =	vor.u32 v11, v17;
	v55 =	vor.u32 v21, v30;
	v39 =	vld.idx.msk [tilespmem:v39+s14+$0x0], $0xffff  }
0x1de: {  	v58 =	vor.u32 v23, v17;
	[tilespmem:v60+s18+$0x0] =	vst.idx.add.f32.msk $0xffff, v42  }
0x1df: {  	v42 =	vor.u32 v9, v33;
	[tilespmem:v46+s18+$0x0] =	vst.idx.add.f32.msk $0xffff, v43;
	v43 =	vor.u32 v11, v16  }
0x1e0: {  	v46 =	vld.idx.msk [tilespmem:v57+s14+$0x0], $0xffff  }
0x1e1: {  	v57 =	vor.u32 v23, v16;
	v49 =	vld.idx.msk [tilespmem:v49+s14+$0x0], $0xffff  }
0x1e2: {  	v59 =	vor.u32 v9, v31;
	v60 =	vor.u32 v23, v29;
	v61 =	vld.idx.msk [tilespmem:v62+s14+$0x0], $0xffff  }
0x1e3: {  	[tilespmem:v52+s18+$0x0] =	vst.idx.add.f32.msk $0xffff, v40;
	v40 =	vor.u32 v10, v30  }
0x1e4: {  	v52 =	vor.u32 v22, v30;
	[tilespmem:v42+s18+$0x0] =	vst.idx.add.f32.msk $0xffff, v39  }
0x1e5: {  	v39 =	vld.idx.msk [tilespmem:v55+s14+$0x0], $0xffff  }
0x1e6: {  	v42 =	vor.u32 v21, v33;
	[tilespmem:v53+s18+$0x0] =	vst.idx.add.f32.msk $0xffff, v46  }
0x1e7: {  	[tilespmem:v59+s18+$0x0] =	vst.idx.add.f32.msk $0xffff, v49  }
0x1e8: {  	v36 =	vld.idx.msk [tilespmem:v36+s14+$0x0], $0xffff  }
0x1e9: {  	[tilespmem:v41+s18+$0x0] =	vst.idx.add.f32.msk $0xffff, v61  }
0x1ea: {  	[tilespmem:v45+s18+$0x0] =	vst.idx.add.f32.msk $0xffff, v51  }
0x1eb: {  	v41 =	vld.idx.msk [tilespmem:v42+s14+$0x0], $0xffff  }
0x1ec: {  	v42 =	vld.idx.msk [tilespmem:v47+s14+$0x0], $0xffff  }
0x1ed: {  	[tilespmem:v40+s18+$0x0] =	vst.idx.add.f32.msk $0xffff, v39  }
0x1ee: {  	[tilespmem:v38+s18+$0x0] =	vst.idx.add.f32.msk $0xffff, v36  }
0x1ef: {  	v36 =	vor.u32 v10, v33;
	v35 =	vld.idx.msk [tilespmem:v35+s14+$0x0], $0xffff  }
0x1f0: {  	v34 =	vld.idx.msk [tilespmem:v34+s14+$0x0], $0xffff  }
0x1f1: {  	v38 =	vld.idx.msk [tilespmem:v52+s14+$0x0], $0xffff  }
0x1f2: {  	v39 =	vor.u32 v11, v30;
	v40 =	vld.idx.msk [tilespmem:v54+s14+$0x0], $0xffff  }
0x1f3: {  	[tilespmem:v43+s18+$0x0] =	vst.idx.add.f32.msk $0xffff, v42  }
0x1f4: {  	v42 =	vor.u32 v23, v30;
	[tilespmem:v36+s18+$0x0] =	vst.idx.add.f32.msk $0xffff, v41  }
0x1f5: {  	[tilespmem:v28+s18+$0x0] =	vst.idx.add.f32.msk $0xffff, v35;
	v35 =	vor.u32 v21, v31  }
0x1f6: {  	v36 =	vor.u32 v20, v32;
	v28 =	vld.idx.msk [tilespmem:v57+s14+$0x0], $0xffff  }
0x1f7: {  	[tilespmem:v39+s18+$0x0] =	vst.idx.add.f32.msk $0xffff, v38  }
0x1f8: {  	[tilespmem:v37+s18+$0x0] =	vst.idx.add.f32.msk $0xffff, v40  }
0x1f9: {  	v37 =	vor.u32 v3, v19;
	v38 =	vld.idx.msk [tilespmem:v42+s14+$0x0], $0xffff  }
0x1fa: {  	v35 =	vld.idx.msk [tilespmem:v35+s14+$0x0], $0xffff  }
0x1fb: {  	v39 =	vor.u32 v20, v19;
	v36 =	vld.idx.msk [tilespmem:v36+s14+$0x0], $0xffff  }
0x1fc: {  	v40 =	vor.u32 v22, v33;
	[tilespmem:v50+s18+$0x0] =	vst.idx.add.f32.msk $0xffff, v34  }
0x1fd: {  	v34 =	vor.u32 v10, v31;
	v41 =	vld.idx.msk [tilespmem:v60+s14+$0x0], $0xffff  }
0x1fe: {  	[tilespmem:v37+s18+$0x0] =	vst.idx.add.f32.msk $0xffff, v48;
	v37 =	vor.u32 v12, v29  }
0x1ff: {  	v42 =	vor.u32 v22, v31;
	v43 =	vld.idx.msk [tilespmem:v44+s14+$0x0], $0xffff  }
0x200: {  	v44 =	vor.u32 v9, v32;
	v39 =	vld.idx.msk [tilespmem:v39+s14+$0x0], $0xffff  }
0x201: {  	v40 =	vld.idx.msk [tilespmem:v40+s14+$0x0], $0xffff  }
0x202: {  	[tilespmem:v34+s18+$0x0] =	vst.idx.add.f32.msk $0xffff, v35  }
0x203: {  	v34 =	vor.u32 v9, v19;
	[tilespmem:v37+s18+$0x0] =	vst.idx.add.f32.msk $0xffff, v41  }
0x204: {  	v35 =	vor.u32 v21, v32;
	v37 =	vld.idx.msk [tilespmem:v42+s14+$0x0], $0xffff  }
0x205: {  	[tilespmem:v44+s18+$0x0] =	vst.idx.add.f32.msk $0xffff, v36;
	v36 =	vor.u32 v11, v31  }
0x206: {  	v41 =	vor.u32 v23, v31;
	[tilespmem:v56+s18+$0x0] =	vst.idx.add.f32.msk $0xffff, v43  }
0x207: {  	v42 =	vor.u32 v11, v33;
	v43 =	vld.idx.msk [tilespmem:v58+s14+$0x0], $0xffff  }
0x208: {  	[tilespmem:v34+s18+$0x0] =	vst.idx.add.f32.msk $0xffff, v39;
	v34 =	vor.u32 v23, v33  }
0x209: {  	v39 =	vor.u32 v12, v17;
	v35 =	vld.idx.msk [tilespmem:v35+s14+$0x0], $0xffff  }
0x20a: {  	v44 =	vor.u32 v12, v30;
	[tilespmem:v36+s18+$0x0] =	vst.idx.add.f32.msk $0xffff, v37  }
0x20b: {  	v36 =	vor.u32 v10, v32;
	v37 =	vld.idx.msk [tilespmem:v41+s14+$0x0], $0xffff  }
0x20c: {  	v41 =	vor.u32 v22, v32;
	[tilespmem:v42+s18+$0x0] =	vst.idx.add.f32.msk $0xffff, v40  }
0x20d: {  	v40 =	vor.u32 v12, v31;
	v34 =	vld.idx.msk [tilespmem:v34+s14+$0x0], $0xffff  }
0x20e: {  	v42 =	vor.u32 v24, v31;
	[tilespmem:v39+s18+$0x0] =	vst.idx.add.f32.msk $0xffff, v43  }
0x20f: {  	v39 =	vor.u32 v21, v19;
	[tilespmem:v44+s18+$0x0] =	vst.idx.add.f32.msk $0xffff, v38  }
0x210: {  	[tilespmem:v36+s18+$0x0] =	vst.idx.add.f32.msk $0xffff, v35;
	v35 =	vor.u32 v12, v33  }
0x211: {  	v38 =	vor.u32 v24, v33;
	v36 =	vld.idx.msk [tilespmem:v41+s14+$0x0], $0xffff  }
0x212: {  	v41 =	vor.u32 v11, v32;
	[tilespmem:v40+s18+$0x0] =	vst.idx.add.f32.msk $0xffff, v37  }
0x213: {  	v37 =	vor.u32 v23, v32;
	v40 =	vld.idx.msk [tilespmem:v42+s14+$0x0], $0xffff  }
0x214: {  	v42 =	vor.u32 v13, v31;
	v39 =	vld.idx.msk [tilespmem:v39+s14+$0x0], $0xffff  }
0x215: {  	v43 =	vor.u32 v24, v30;
	[tilespmem:v35+s18+$0x0] =	vst.idx.add.f32.msk $0xffff, v34  }
0x216: {  	v35 =	vor.u32 v24, v29;
	v34 =	vld.idx.msk [tilespmem:v38+s14+$0x0], $0xffff  }
0x217: {  	v38 =	vor.u32 v10, v19;
	[tilespmem:v41+s18+$0x0] =	vst.idx.add.f32.msk $0xffff, v36;
	v36 =	vor.u32 v13, v33  }
0x218: {  	v37 =	vld.idx.msk [tilespmem:v37+s14+$0x0], $0xffff  }
0x219: {  	v41 =	vor.u32 v12, v32;
	[tilespmem:v42+s18+$0x0] =	vst.idx.add.f32.msk $0xffff, v40  }
0x21a: {  	v40 =	vor.u32 v22, v19;
	v42 =	vor.u32 v24, v32;
	v43 =	vld.idx.msk [tilespmem:v43+s14+$0x0], $0xffff  }
0x21b: {  	v35 =	vld.idx.msk [tilespmem:v35+s14+$0x0], $0xffff  }
0x21c: {  	[tilespmem:v36+s18+$0x0] =	vst.idx.add.f32.msk $0xffff, v34;
	v34 =	vor.u32 v13, v29  }
0x21d: {  	v36 =	vor.u32 v25, v33;
	[tilespmem:v38+s18+$0x0] =	vst.idx.add.f32.msk $0xffff, v39  }
0x21e: {  	[tilespmem:v41+s18+$0x0] =	vst.idx.add.f32.msk $0xffff, v37;
	v37 =	vor.u32 v25, v31  }
0x21f: {  	v39 =	vor.u32 v25, v29;
	v38 =	vld.idx.msk [tilespmem:v42+s14+$0x0], $0xffff  }
0x220: {  	v41 =	vor.u32 v13, v32;
	v40 =	vld.idx.msk [tilespmem:v40+s14+$0x0], $0xffff  }
0x221: {  	v44 =	vor.u32 v25, v32;
	v42 =	vor.u32 v11, v19;
	[tilespmem:v34+s18+$0x0] =	vst.idx.add.f32.msk $0xffff, v35  }
0x222: {  	v34 =	vor.u32 v23, v19;
	v35 =	vld.idx.msk [tilespmem:v36+s14+$0x0], $0xffff  }
0x223: {  	v36 =	vld.idx.msk [tilespmem:v37+s14+$0x0], $0xffff  }
0x224: {  	v37 =	vor.u32 v14, v31;
	v39 =	vld.idx.msk [tilespmem:v39+s14+$0x0], $0xffff  }
0x225: {  	[tilespmem:v41+s18+$0x0] =	vst.idx.add.f32.msk $0xffff, v38;
	v38 =	vor.u32 v14, v33  }
0x226: {  	v45 =	vor.u32 v26, v33;
	v41 =	vor.u32 v24, v19;
	v44 =	vld.idx.msk [tilespmem:v44+s14+$0x0], $0xffff  }
0x227: {  	[tilespmem:v42+s18+$0x0] =	vst.idx.add.f32.msk $0xffff, v40;
	v40 =	vor.u32 v14, v29  }
0x228: {  	v46 =	vor.u32 v14, v32;
	v42 =	vld.idx.msk [tilespmem:v34+s14+$0x0], $0xffff  }
0x229: {  	v47 =	vor.u32 v26, v32;
	[tilespmem:v37+s18+$0x0] =	vst.idx.add.f32.msk $0xffff, v36  }
0x22a: {  	v36 =	vor.u32 v13, v30;
	[tilespmem:v38+s18+$0x0] =	vst.idx.add.f32.msk $0xffff, v35  }
0x22b: {  	v37 =	vor.u32 v25, v30;
	v35 =	vor.u32 v12, v19;
	v45 =	vld.idx.msk [tilespmem:v45+s14+$0x0], $0xffff  }
0x22c: {  	v48 =	vor.u32 v13, v19;
	[tilespmem:v40+s18+$0x0] =	vst.idx.add.f32.msk $0xffff, v39  }
0x22d: {  	v34 =	vor.u32 v25, v19;
	[tilespmem:v46+s18+$0x0] =	vst.idx.add.f32.msk $0xffff, v44  }
0x22e: {  	v39 =	vor.u32 v24, v17;
	v38 =	vld.idx.msk [tilespmem:v47+s14+$0x0], $0xffff  }
0x22f: {  	v32 =	vor.u32 v15, v32;
	[tilespmem:v36+s18+$0x0] =	vst.idx.add.f32.msk $0xffff, v43  }
0x230: {  	v40 =	vor.u32 v26, v31;
	v37 =	vld.idx.msk [tilespmem:v37+s14+$0x0], $0xffff  }
0x231: {  	[tilespmem:v35+s18+$0x0] =	vst.idx.add.f32.msk $0xffff, v42;
	v35 =	vor.u32 v14, v30  }
0x232: {  	v33 =	vor.u32 v15, v33;
	v41 =	vld.idx.msk [tilespmem:v41+s14+$0x0], $0xffff  }
0x233: {  	v39 =	vld.idx.msk [tilespmem:v39+s14+$0x0], $0xffff  }
.Ltmp1:
0x234: {  	[tilespmem:v32+s18+$0x0] =	vst.idx.add.f32.msk $0xffff, v38;
	(pc) =	sbr.rel @p0 .LBB2_5-.Ltmp1, $4  }
0x235: {  	v36 =	vor.u32 v15, v30;
	v32 =	vor.u32 v26, v30;
	v30 =	vld.idx.msk [tilespmem:v40+s14+$0x0], $0xffff  }
0x236: {  	v31 =	vor.u32 v15, v31;
	[tilespmem:v35+s18+$0x0] =	vst.idx.add.f32.msk $0xffff, v37;
	v37 =	vor.u32 v15, v29  }
0x237: {  	v38 =	vor.u32 v26, v19;
	[tilespmem:v33+s18+$0x0] =	vst.idx.add.f32.msk $0xffff, v45;
	v33 =	vor.u32 v26, v29  }
0x238: {  	s31 =	smov.u32 s3;
	v40 =	vor.u32 v14, v19;
	[tilespmem:v48+s18+$0x0] =	vst.idx.add.f32.msk $0xffff, v41;
	v41 =	vor.u32 v12, v16  }
0x239: {  	_ =	sdelay $0x3  }
0x23a: {  	v18 =	vld.idx.msk [tilespmem:v34+s14+$0x0], $0xffff  }
0x23b: {  	v20 =	vor.u32 v13, v17;
	v21 =	vld.idx.msk [tilespmem:v32+s14+$0x0], $0xffff  }
0x23c: {  	v22 =	vor.u32 v25, v17;
	[tilespmem:v41+s18+$0x0] =	vst.idx.add.f32.msk $0xffff, v28  }
0x23d: {  	v24 =	vor.u32 v13, v16;
	v23 =	vld.idx.msk [tilespmem:v27+s14+$0x0], $0xffff  }
0x23e: {  	v25 =	vor.u32 v25, v16;
	[tilespmem:v31+s18+$0x0] =	vst.idx.add.f32.msk $0xffff, v30  }
0x23f: {  	v27 =	vld.idx.msk [tilespmem:v33+s14+$0x0], $0xffff  }
0x240: {  	[tilespmem:v20+s18+$0x0] =	vst.idx.add.f32.msk $0xffff, v39  }
0x241: {  	v20 =	vld.idx.msk [tilespmem:v22+s14+$0x0], $0xffff;
	v22 =	vor.u32 v14, v17  }
0x242: {  	[tilespmem:v24+s18+$0x0] =	vst.idx.add.f32.msk $0xffff, v23;
	v23 =	vor.u32 v26, v17  }
0x243: {  	v24 =	vld.idx.msk [tilespmem:v25+s14+$0x0], $0xffff;
	v25 =	vor.u32 v14, v16  }
0x244: {  	[tilespmem:v40+s18+$0x0] =	vst.idx.add.f32.msk $0xffff, v18;
	v18 =	vor.u32 v26, v16  }
0x245: {  	v26 =	vld.idx.msk [tilespmem:v38+s14+$0x0], $0xffff  }
0x246: {  	[tilespmem:v22+s18+$0x0] =	vst.idx.add.f32.msk $0xffff, v20  }
0x247: {  	v19 =	vor.u32 v15, v19;
	v20 =	vld.idx.msk [tilespmem:v23+s14+$0x0], $0xffff  }
0x248: {  	v17 =	vor.u32 v15, v17;
	[tilespmem:v25+s18+$0x0] =	vst.idx.add.f32.msk $0xffff, v24  }
0x249: {  	v16 =	vor.u32 v15, v16;
	v18 =	vld.idx.msk [tilespmem:v18+s14+$0x0], $0xffff  }
0x24a: {  	[tilespmem:v36+s18+$0x0] =	vst.idx.add.f32.msk $0xffff, v21  }
0x24b: {  	[tilespmem:v37+s18+$0x0] =	vst.idx.add.f32.msk $0xffff, v27  }
0x24c: {  	[tilespmem:v19+s18+$0x0] =	vst.idx.add.f32.msk $0xffff, v26  }
0x24d: {  	s0 =	sshll.u32 s30, $0x4;
	[tilespmem:v17+s18+$0x0] =	vst.idx.add.f32.msk $0xffff, v20  }
0x24e: {  	p0 =	seq.s32 s26, $0x18;
	s0 =	sadd.s32 s5, s0;
	[tilespmem:v16+s18+$0x0] =	vst.idx.add.f32.msk $0xffff, v18  }
0x24f: {  	[hbm4b:s0+s7] =	stream.linear.scatter [tilespmem:s18], [sflag:$0x3], $0x4000, $0x38;
	[tilespmem:$0x1E000] =	vst v63  }
0x250: {  	s0 =	simm.s32 @!p0 $0x3  }
0x251: {  	_ =	swait.ge @!p0 [sflag:s0], $0x4000  }
0x252: {  	s2 =	sshll.u32 s29, $0x7;
	s3 =	sshll.u32 @!p0 s26, $0x8;
	[sflag:s0] =	ssyncset.done @!p0 $0x0  }
0x253: {  	s29 =	sadd.s32 s6, s2;
	[sflag:s0] =	ssyncadd.s32 @!p0 $0xFFFFC000;
	s0 =	sand.u32 @!p0 $0x3FFFFF00, s3  }
0x254: {  	s2 =	simm.s32 @!p0 $0x80;
	s3 =	simm.s32 @!p0 $0x3200;
	s0 =	sadd.s32 @!p0 $0x100, s0  }
0x255: {  	[tilespmem:s3], [sflag:$0x1] =	stream.indirect.gather @!p0 [hbm4b:s1+s2], $0x80, s0, s2, $0xb8;
	[tilespmem:$0x1E000] =	vst v63  }
0x256: {  	v16 =	vor.u32 s29, v0;
	v17 =	vld [tilespmem:s28+$0x1900]  }
0x257: {  	v18 =	vmulhi.u32 $0x51EB851F, v16;
	_ =	sdelay $0x1  }
0x258: {  	v19 =	vor.u32 s29, v1;
	v18 =	vshrl.u32 v18, $0x6  }
0x259: {  	v20 =	vmulhi.u32 $0x51EB851F, v19;
	v18 =	vmul.u32 $0xC8, v18  }
0x25a: {  	v21 =	vld [tilespmem:s28+$0x1910];
	v17 =	vmul.u32 $0xC8, v17  }
0x25b: {  	s12 =	simm.s32 $0x5;
	v16 =	vsub.s32 v16, v18;
	v18 =	vshrl.u32 v20, $0x6;
	v22 =	vld [tilespmem:s28+$0x1920]  }
0x25c: {  	s3 =	simm.s32 $0x3;
	v23 =	vld [tilespmem:s28+$0x1930];
	v20 =	vmul.u32 $0xC8, v18;
	v16 =	vadd.s32 v16, v17;
	v17 =	vadd.s32 s12, v0  }
0x25d: {  	s30 =	simm.s32 $0x7;
	v28 =	vld [tilespmem:s28+$0x1940];
	v27 =	vadd.s32 s3, v0;
	v18 =	vshll.u32 v16, $0x7;
	v29 =	vand.u32 $0x7F, v17  }
0x25e: {  	s31 =	simm.s32 $0x6;
	v24 =	vld [tilespmem:s28+$0x1950];
	v27 =	vand.u32 $0x7F, v27;
	v16 =	vadd.s32 s30, v0;
	v42 =	vor.u32 v18, v29  }
0x25f: {  	v25 =	vld [tilespmem:s28+$0x1960];
	s12 =	simm.s32 $0x2;
	v17 =	vadd.s32 s31, v0;
	v16 =	vand.u32 $0x7F, v16;
	v35 =	vor.u32 v18, v27  }
0x260: {  	v26 =	vld [tilespmem:s28+$0x1970];
	_ =	swait.ge [sflag:s21], $0x4000;
	s28 =	simm.s32 $0x4;
	v30 =	vadd.s32 s12, v0;
	v17 =	vand.u32 $0x7F, v17;
	v43 =	vor.u32 v18, v16  }
0x261: {  	[sflag:s21] =	ssyncset.done $0x0;
	v31 =	vadd.s32 s28, v0;
	v30 =	vand.u32 $0x7F, v30;
	v44 =	vor.u32 v18, v17  }
0x262: {  	[sflag:s21] =	ssyncadd.s32 $0xFFFFC000;
	v31 =	vand.u32 $0x7F, v31;
	v45 =	vor.u32 v18, v30  }
0x263: {  	v21 =	vmul.u32 $0xC8, v21;
	v46 =	vor.u32 v18, v31;
	v32 =	vld.idx.msk [tilespmem:v42+s14+$0x0], $0xffff  }
0x264: {  	v19 =	vsub.s32 v19, v20;
	v55 =	vor.u32 v3, v29;
	v35 =	vld.idx.msk [tilespmem:v35+s14+$0x0], $0xffff  }
0x265: {  	v19 =	vadd.s32 v19, v21;
	v21 =	vor.u32 v3, v16;
	v33 =	vld.idx.msk [tilespmem:v43+s14+$0x0], $0xffff  }
0x266: {  	v20 =	vshll.u32 v19, $0x7;
	v19 =	vor.u32 v3, v17;
	v34 =	vld.idx.msk [tilespmem:v44+s14+$0x0], $0xffff  }
0x267: {  	v48 =	vor.u32 v3, v30;
	v36 =	vld.idx.msk [tilespmem:v45+s14+$0x0], $0xffff  }
0x268: {  	v37 =	vld.idx.msk [tilespmem:v46+s14+$0x0], $0xffff;
	v43 =	vor.u32 v3, v27  }
0x269: {  	v47 =	vor.u32 v20, v16;
	[tilespmem:v55+s19+$0x0] =	vst.idx.add.f32.msk $0xffff, v32  }
0x26a: {  	v49 =	vor.u32 v20, v30;
	[tilespmem:v21+s19+$0x0] =	vst.idx.add.f32.msk $0xffff, v33  }
0x26b: {  	s30 =	simm.s32 $0x0;
	v52 =	vor.u32 v20, v17;
	[tilespmem:v19+s19+$0x0] =	vst.idx.add.f32.msk $0xffff, v34  }
0x26c: {  	v50 =	vor.u32 s29, v2;
	v53 =	vor.u32 v20, v27;
	v42 =	vadd.s32 s30, v0;
	[tilespmem:v48+s19+$0x0] =	vst.idx.add.f32.msk $0xffff, v36  }
0x26d: {  	v51 =	vmulhi.u32 $0x51EB851F, v50;
	v21 =	vor.u32 v3, v31;
	v19 =	vand.u32 $0x7F, v42;
	[tilespmem:v43+s19+$0x0] =	vst.idx.add.f32.msk $0xffff, v35  }
0x26e: {  	v38 =	vld.idx.msk [tilespmem:v47+s14+$0x0], $0xffff;
	v42 =	vor.u32 v18, v19  }
0x26f: {  	v56 =	vor.u32 v20, v31;
	v33 =	vshrl.u32 v51, $0x6;
	v39 =	vld.idx.msk [tilespmem:v49+s14+$0x0], $0xffff  }
0x270: {  	v54 =	vor.u32 v9, v16;
	v33 =	vmul.u32 $0xC8, v33;
	v34 =	vld.idx.msk [tilespmem:v52+s14+$0x0], $0xffff  }
0x271: {  	v22 =	vmul.u32 $0xC8, v22;
	v59 =	vor.u32 v9, v30;
	v36 =	vld.idx.msk [tilespmem:v53+s14+$0x0], $0xffff  }
0x272: {  	v61 =	vor.u32 v9, v27;
	[tilespmem:v21+s19+$0x0] =	vst.idx.add.f32.msk $0xffff, v37;
	v21 =	vsub.s32 v50, v33  }
0x273: {  	v21 =	vadd.s32 v21, v22;
	v22 =	vor.u32 v20, v29;
	v37 =	vld.idx.msk [tilespmem:v42+s14+$0x0], $0xffff  }
0x274: {  	v44 =	vor.u32 v9, v31;
	v35 =	vld.idx.msk [tilespmem:v56+s14+$0x0], $0xffff;
	v21 =	vshll.u32 v21, $0x7  }
0x275: {  	[tilespmem:v54+s19+$0x0] =	vst.idx.add.f32.msk $0xffff, v38;
	v57 =	vor.u32 v21, v16  }
0x276: {  	v58 =	vor.u32 s29, v4;
	s31 =	simm.s32 $0x1;
	[tilespmem:v59+s19+$0x0] =	vst.idx.add.f32.msk $0xffff, v39;
	v62 =	vor.u32 v21, v30  }
0x277: {  	v60 =	vmulhi.u32 $0x51EB851F, v58;
	v53 =	vadd.s32 s31, v0;
	[tilespmem:v61+s19+$0x0] =	vst.idx.add.f32.msk $0xffff, v36;
	v50 =	vor.u32 v21, v27  }
0x278: {  	v32 =	vand.u32 $0x7F, v53;
	v53 =	vor.u32 v21, v31;
	v33 =	vld.idx.msk [tilespmem:v22+s14+$0x0], $0xffff  }
0x279: {  	v63 =	vor.u32 v9, v29;
	v22 =	vshrl.u32 v60, $0x6;
	[tilespmem:v44+s19+$0x0] =	vst.idx.add.f32.msk $0xffff, v35  }
0x27a: {  	v45 =	vor.u32 v21, v29;
	v22 =	vmul.u32 $0xC8, v22;
	v41 =	vld.idx.msk [tilespmem:v57+s14+$0x0], $0xffff  }
0x27b: {  	v23 =	vmul.u32 $0xC8, v23;
	v48 =	vor.u32 v10, v16;
	v49 =	vld.idx.msk [tilespmem:v62+s14+$0x0], $0xffff  }
0x27c: {  	v54 =	vor.u32 v10, v30;
	v40 =	vld.idx.msk [tilespmem:v50+s14+$0x0], $0xffff;
	v22 =	vsub.s32 v58, v22  }
0x27d: {  	v35 =	vld.idx.msk [tilespmem:v53+s14+$0x0], $0xffff;
	v22 =	vadd.s32 v22, v23;
	v23 =	vor.u32 v9, v17  }
0x27e: {  	v61 =	vor.u32 v21, v17;
	[tilespmem:v63+s19+$0x0] =	vst.idx.add.f32.msk $0xffff, v33  }
0x27f: {  	v22 =	vshll.u32 v22, $0x7;
	v63 =	vor.u32 v10, v27;
	v55 =	vld.idx.msk [tilespmem:v45+s14+$0x0], $0xffff  }
0x280: {  	v51 =	vor.u32 v22, v16;
	[tilespmem:v48+s19+$0x0] =	vst.idx.add.f32.msk $0xffff, v41  }
0x281: {  	v57 =	vor.u32 v10, v29;
	[tilespmem:v54+s19+$0x0] =	vst.idx.add.f32.msk $0xffff, v49  }
0x282: {  	v52 =	vor.u32 s29, v5;
	v60 =	vor.u32 v22, v30;
	[tilespmem:v23+s19+$0x0] =	vst.idx.add.f32.msk $0xffff, v34  }
0x283: {  	v56 =	vmulhi.u32 $0x51EB851F, v52;
	v59 =	vor.u32 v22, v29;
	v43 =	vld.idx.msk [tilespmem:v61+s14+$0x0], $0xffff  }
0x284: {  	v58 =	vor.u32 v18, v32;
	[tilespmem:v63+s19+$0x0] =	vst.idx.add.f32.msk $0xffff, v40  }
0x285: {  	v23 =	vshrl.u32 v56, $0x6;
	v61 =	vor.u32 v10, v31;
	v33 =	vld.idx.msk [tilespmem:v51+s14+$0x0], $0xffff  }
0x286: {  	v62 =	vor.u32 v11, v16;
	v23 =	vmul.u32 $0xC8, v23;
	[tilespmem:v57+s19+$0x0] =	vst.idx.add.f32.msk $0xffff, v55  }
0x287: {  	v28 =	vmul.u32 $0xC8, v28;
	v50 =	vor.u32 v11, v30;
	v41 =	vld.idx.msk [tilespmem:v60+s14+$0x0], $0xffff  }
0x288: {  	v51 =	vor.u32 v10, v17;
	v23 =	vsub.s32 v52, v23;
	v34 =	vld.idx.msk [tilespmem:v59+s14+$0x0], $0xffff  }
0x289: {  	v57 =	vor.u32 v3, v19;
	v23 =	vadd.s32 v23, v28;
	v28 =	vld.idx.msk [tilespmem:v58+s14+$0x0], $0xffff  }
0x28a: {  	v60 =	vor.u32 v22, v27;
	[tilespmem:v61+s19+$0x0] =	vst.idx.add.f32.msk $0xffff, v35  }
0x28b: {  	v55 =	vor.u32 v11, v29;
	[tilespmem:v62+s19+$0x0] =	vst.idx.add.f32.msk $0xffff, v33  }
0x28c: {  	v63 =	vor.u32 v22, v31;
	[tilespmem:v50+s19+$0x0] =	vst.idx.add.f32.msk $0xffff, v41  }
0x28d: {  	v48 =	vor.u32 v3, v32;
	[tilespmem:v51+s19+$0x0] =	vst.idx.add.f32.msk $0xffff, v43  }
0x28e: {  	v58 =	vor.u32 v22, v17;
	[tilespmem:v57+s19+$0x0] =	vst.idx.add.f32.msk $0xffff, v37  }
0x28f: {  	v54 =	vor.u32 v20, v32;
	v23 =	vshll.u32 v23, $0x7;
	v43 =	vld.idx.msk [tilespmem:v60+s14+$0x0], $0xffff  }
0x290: {  	v49 =	vor.u32 v23, v16;
	[tilespmem:v55+s19+$0x0] =	vst.idx.add.f32.msk $0xffff, v34  }
0x291: {  	v52 =	vor.u32 v23, v30;
	v55 =	vld.idx.msk [tilespmem:v63+s14+$0x0], $0xffff  }
0x292: {  	v56 =	vor.u32 v23, v29;
	[tilespmem:v48+s19+$0x0] =	vst.idx.add.f32.msk $0xffff, v28  }
0x293: {  	v59 =	vor.u32 v20, v19;
	v48 =	vld.idx.msk [tilespmem:v58+s14+$0x0], $0xffff  }
0x294: {  	v60 =	vor.u32 v11, v27;
	v36 =	vld.idx.msk [tilespmem:v54+s14+$0x0], $0xffff  }
0x295: {  	v57 =	vor.u32 v11, v31;
	v28 =	vld.idx.msk [tilespmem:v49+s14+$0x0], $0xffff  }
0x296: {  	v61 =	vor.u32 v23, v27;
	v33 =	vld.idx.msk [tilespmem:v52+s14+$0x0], $0xffff  }
0x297: {  	v51 =	vor.u32 v11, v17;
	v38 =	vld.idx.msk [tilespmem:v56+s14+$0x0], $0xffff  }
0x298: {  	v50 =	vor.u32 v9, v32;
	v49 =	vld.idx.msk [tilespmem:v59+s14+$0x0], $0xffff  }
0x299: {  	v62 =	vor.u32 v12, v29;
	[tilespmem:v60+s19+$0x0] =	vst.idx.add.f32.msk $0xffff, v43  }
0x29a: {  	v52 =	vor.u32 v23, v17;
	[tilespmem:v57+s19+$0x0] =	vst.idx.add.f32.msk $0xffff, v55  }
0x29b: {  	v53 =	vor.u32 v9, v19;
	v34 =	vld.idx.msk [tilespmem:v61+s14+$0x0], $0xffff  }
0x29c: {  	v54 =	vor.u32 v21, v32;
	v56 =	vor.u32 s29, v6;
	[tilespmem:v51+s19+$0x0] =	vst.idx.add.f32.msk $0xffff, v48  }
0x29d: {  	v59 =	vor.u32 v23, v31;
	v58 =	vmulhi.u32 $0x51EB851F, v56;
	[tilespmem:v50+s19+$0x0] =	vst.idx.add.f32.msk $0xffff, v36  }
0x29e: {  	v63 =	vor.u32 v12, v30;
	[tilespmem:v62+s19+$0x0] =	vst.idx.add.f32.msk $0xffff, v38  }
0x29f: {  	v55 =	vor.u32 v12, v27;
	v39 =	vshrl.u32 v58, $0x6;
	v44 =	vld.idx.msk [tilespmem:v52+s14+$0x0], $0xffff  }
0x2a0: {  	v39 =	vmul.u32 $0xC8, v39;
	[tilespmem:v53+s19+$0x0] =	vst.idx.add.f32.msk $0xffff, v49;
	v62 =	vor.u32 v12, v17  }
0x2a1: {  	v24 =	vmul.u32 $0xC8, v24;
	v35 =	vld.idx.msk [tilespmem:v54+s14+$0x0], $0xffff;
	v49 =	vor.u32 v10, v32  }
0x2a2: {  	v50 =	vld.idx.msk [tilespmem:v59+s14+$0x0], $0xffff;
	v52 =	vor.u32 v12, v31;
	v48 =	vsub.s32 v56, v39  }
0x2a3: {  	v54 =	vor.u32 v21, v19;
	[tilespmem:v63+s19+$0x0] =	vst.idx.add.f32.msk $0xffff, v33;
	v24 =	vadd.s32 v48, v24  }
0x2a4: {  	v51 =	vor.u32 v22, v32;
	[tilespmem:v55+s19+$0x0] =	vst.idx.add.f32.msk $0xffff, v34;
	v24 =	vshll.u32 v24, $0x7  }
0x2a5: {  	v53 =	vor.u32 v24, v31;
	[tilespmem:v62+s19+$0x0] =	vst.idx.add.f32.msk $0xffff, v44  }
0x2a6: {  	v56 =	vor.u32 v24, v27;
	[tilespmem:v49+s19+$0x0] =	vst.idx.add.f32.msk $0xffff, v35  }
0x2a7: {  	v59 =	vor.u32 s29, v7;
	v63 =	vor.u32 v24, v29;
	[tilespmem:v52+s19+$0x0] =	vst.idx.add.f32.msk $0xffff, v50  }
0x2a8: {  	v61 =	vmulhi.u32 $0x51EB851F, v59;
	v41 =	vld.idx.msk [tilespmem:v54+s14+$0x0], $0xffff;
	v62 =	vor.u32 v24, v30  }
0x2a9: {  	v47 =	vor.u32 v10, v19;
	v35 =	vld.idx.msk [tilespmem:v51+s14+$0x0], $0xffff  }
0x2aa: {  	v57 =	vor.u32 v11, v32;
	v45 =	vshrl.u32 v61, $0x6;
	v39 =	vld.idx.msk [tilespmem:v53+s14+$0x0], $0xffff  }
0x2ab: {  	v36 =	vmul.u32 $0xC8, v45;
	v50 =	vor.u32 v22, v19;
	v33 =	vld.idx.msk [tilespmem:v56+s14+$0x0], $0xffff  }
0x2ac: {  	v25 =	vmul.u32 $0xC8, v25;
	v58 =	vor.u32 v23, v32;
	v34 =	vld.idx.msk [tilespmem:v63+s14+$0x0], $0xffff  }
0x2ad: {  	v60 =	vor.u32 v13, v31;
	v36 =	vsub.s32 v59, v36;
	v40 =	vld.idx.msk [tilespmem:v62+s14+$0x0], $0xffff  }
0x2ae: {  	v46 =	vor.u32 v13, v27;
	v25 =	vadd.s32 v36, v25;
	[tilespmem:v47+s19+$0x0] =	vst.idx.add.f32.msk $0xffff, v41  }
0x2af: {  	v52 =	vor.u32 s29, v8;
	v51 =	vor.u32 v13, v29;
	v25 =	vshll.u32 v25, $0x7;
	[tilespmem:v57+s19+$0x0] =	vst.idx.add.f32.msk $0xffff, v35  }
0x2b0: {  	v54 =	vmulhi.u32 $0x51EB851F, v52;
	v53 =	vor.u32 v25, v27;
	v36 =	vld.idx.msk [tilespmem:v50+s14+$0x0], $0xffff  }
0x2b1: {  	v56 =	vor.u32 v25, v29;
	v38 =	vld.idx.msk [tilespmem:v58+s14+$0x0], $0xffff  }
0x2b2: {  	v41 =	vshrl.u32 v54, $0x6;
	v54 =	vor.u32 v13, v30;
	[tilespmem:v60+s19+$0x0] =	vst.idx.add.f32.msk $0xffff, v39  }
0x2b3: {  	v48 =	vor.u32 v12, v32;
	[tilespmem:v46+s19+$0x0] =	vst.idx.add.f32.msk $0xffff, v33  }
0x2b4: {  	v55 =	vor.u32 v25, v31;
	[tilespmem:v51+s19+$0x0] =	vst.idx.add.f32.msk $0xffff, v34  }
0x2b5: {  	v49 =	vor.u32 v24, v32;
	v60 =	vld.idx.msk [tilespmem:v53+s14+$0x0], $0xffff  }
0x2b6: {  	v59 =	vor.u32 v11, v19;
	v63 =	vld.idx.msk [tilespmem:v56+s14+$0x0], $0xffff  }
0x2b7: {  	v61 =	vor.u32 v23, v19;
	[tilespmem:v54+s19+$0x0] =	vst.idx.add.f32.msk $0xffff, v40  }
0x2b8: {  	v51 =	vor.u32 v14, v29;
	[tilespmem:v48+s19+$0x0] =	vst.idx.add.f32.msk $0xffff, v38  }
0x2b9: {  	v62 =	vor.u32 v14, v31;
	v38 =	vld.idx.msk [tilespmem:v55+s14+$0x0], $0xffff  }
0x2ba: {  	v57 =	vor.u32 v13, v32;
	v41 =	vmul.u32 $0xC8, v41;
	v39 =	vld.idx.msk [tilespmem:v49+s14+$0x0], $0xffff  }
0x2bb: {  	v26 =	vmul.u32 $0xC8, v26;
	v58 =	vor.u32 v25, v32;
	[tilespmem:v59+s19+$0x0] =	vst.idx.add.f32.msk $0xffff, v36  }
0x2bc: {  	v35 =	vsub.s32 v52, v41;
	v48 =	vor.u32 v14, v27;
	v36 =	vld.idx.msk [tilespmem:v61+s14+$0x0], $0xffff  }
0x2bd: {  	v26 =	vadd.s32 v35, v26;
	v55 =	vor.u32 v25, v30;
	[tilespmem:v51+s19+$0x0] =	vst.idx.add.f32.msk $0xffff, v63  }
0x2be: {  	v26 =	vshll.u32 v26, $0x7;
	v56 =	vor.u32 v12, v19;
	[tilespmem:v62+s19+$0x0] =	vst.idx.add.f32.msk $0xffff, v38  }
0x2bf: {  	v50 =	vor.u32 v26, v27;
	[tilespmem:v57+s19+$0x0] =	vst.idx.add.f32.msk $0xffff, v39  }
0x2c0: {  	v52 =	vor.u32 v14, v32;
	v49 =	vld.idx.msk [tilespmem:v58+s14+$0x0], $0xffff  }
0x2c1: {  	v53 =	vor.u32 v26, v32;
	[tilespmem:v48+s19+$0x0] =	vst.idx.add.f32.msk $0xffff, v60  }
0x2c2: {  	v35 =	vld.idx.msk [tilespmem:v55+s14+$0x0], $0xffff;
	v60 =	vor.u32 v14, v30  }
0x2c3: {  	[tilespmem:v56+s19+$0x0] =	vst.idx.add.f32.msk $0xffff, v36;
	v57 =	vor.u32 v24, v19  }
0x2c4: {  	v62 =	vor.u32 v15, v27;
	v43 =	vld.idx.msk [tilespmem:v50+s14+$0x0], $0xffff  }
0x2c5: {  	v58 =	vor.u32 v24, v17;
	[tilespmem:v52+s19+$0x0] =	vst.idx.add.f32.msk $0xffff, v49  }
0x2c6: {  	v32 =	vor.u32 v15, v32;
	v37 =	vld.idx.msk [tilespmem:v53+s14+$0x0], $0xffff  }
0x2c7: {  	v59 =	vor.u32 v26, v31;
	[tilespmem:v60+s19+$0x0] =	vst.idx.add.f32.msk $0xffff, v35  }
0x2c8: {  	v63 =	vor.u32 v13, v19;
	v61 =	vld.idx.msk [tilespmem:v57+s14+$0x0], $0xffff  }
0x2c9: {  	[tilespmem:v62+s19+$0x0] =	vst.idx.add.f32.msk $0xffff, v43  }
0x2ca: {  	v41 =	vor.u32 v12, v16;
	v34 =	vor.u32 v25, v19;
	v40 =	vor.u32 v14, v19;
	v39 =	vld.idx.msk [tilespmem:v58+s14+$0x0], $0xffff  }
0x2cb: {  	v31 =	vor.u32 v15, v31;
	[tilespmem:v32+s19+$0x0] =	vst.idx.add.f32.msk $0xffff, v37;
	v32 =	vor.u32 v26, v30  }
0x2cc: {  	v33 =	vor.u32 v26, v29;
	v27 =	vor.u32 v24, v16;
	v36 =	vor.u32 v15, v30;
	v30 =	vld.idx.msk [tilespmem:v59+s14+$0x0], $0xffff  }
0x2cd: {  	s3 =	simm.s32 $0x8;
	v38 =	vor.u32 v26, v19;
	[tilespmem:v63+s19+$0x0] =	vst.idx.add.f32.msk $0xffff, v61;
	v37 =	vor.u32 v15, v29  }
.LBB2_7:
0x2ce: {  	s0 =	sadd.s32 $0x1, s3  }
0x2cf: {  	v29 =	vadd.s32 s3, v0;
	s2 =	sadd.s32 $0x5, s3;
	v42 =	vld.idx.msk [tilespmem:v34+s14+$0x0], $0xffff;
	v43 =	vor.u32 v13, v17;
	v44 =	vor.u32 v25, v17;
	s12 =	smov.u32 s3;
	s28 =	sadd.s32 $0x8, s3  }
0x2d0: {  	p0 =	slt.u32 s3, $0x78;
	v45 =	vand.u32 $0x7F, v29;
	v29 =	vadd.s32 s0, v0;
	s0 =	sadd.s32 $0x2, s12;
	v34 =	vadd.s32 s2, v0;
	v46 =	vld.idx.msk [tilespmem:v32+s14+$0x0], $0xffff  }
0x2d1: {  	v32 =	vand.u32 $0x7F, v29;
	v47 =	vadd.s32 s0, v0;
	s0 =	sadd.s32 $0x3, s12;
	v29 =	vand.u32 $0x7F, v34;
	[tilespmem:v31+s19+$0x0] =	vst.idx.add.f32.msk $0xffff, v30  }
0x2d2: {  	s2 =	sadd.s32 $0x4, s12;
	v48 =	vor.u32 v18, v45;
	v35 =	vor.u32 v18, v32;
	v34 =	vor.u32 v22, v29;
	v49 =	vld.idx.msk [tilespmem:v33+s14+$0x0], $0xffff  }
0x2d3: {  	v30 =	vand.u32 $0x7F, v47;
	v31 =	vadd.s32 s0, v0;
	v47 =	vadd.s32 s2, v0;
	[tilespmem:v41+s19+$0x0] =	vst.idx.add.f32.msk $0xffff, v28  }
0x2d4: {  	s0 =	sadd.s32 $0x6, s12;
	v41 =	vor.u32 v18, v30;
	v33 =	vand.u32 $0x7F, v31;
	v31 =	vand.u32 $0x7F, v47;
	v47 =	vld.idx.msk [tilespmem:v27+s14+$0x0], $0xffff  }
0x2d5: {  	v50 =	vor.u32 v18, v31;
	v27 =	vadd.s32 s0, v0;
	s0 =	sadd.s32 $0x7, s12;
	[tilespmem:v43+s19+$0x0] =	vst.idx.add.f32.msk $0xffff, v39;
	v39 =	vor.u32 v13, v16  }
0x2d6: {  	v43 =	vor.u32 v18, v29;
	v51 =	vand.u32 $0x7F, v27;
	v27 =	vadd.s32 s0, v0;
	v44 =	vld.idx.msk [tilespmem:v44+s14+$0x0], $0xffff  }
0x2d7: {  	v52 =	vor.u32 v18, v51;
	v53 =	vand.u32 $0x7F, v27;
	[tilespmem:v40+s19+$0x0] =	vst.idx.add.f32.msk $0xffff, v42;
	v40 =	vor.u32 v25, v16  }
0x2d8: {  	v42 =	vor.u32 v18, v53;
	v27 =	vor.u32 v24, v53;
	v38 =	vld.idx.msk [tilespmem:v38+s14+$0x0], $0xffff  }
0x2d9: {  	v28 =	vor.u32 v3, v32;
	[tilespmem:v37+s19+$0x0] =	vst.idx.add.f32.msk $0xffff, v49;
	v37 =	vor.u32 v14, v17  }
0x2da: {  	v49 =	vor.u32 v18, v33;
	[tilespmem:v39+s19+$0x0] =	vst.idx.add.f32.msk $0xffff, v47  }
0x2db: {  	v39 =	vor.u32 v3, v30;
	[tilespmem:v36+s19+$0x0] =	vst.idx.add.f32.msk $0xffff, v46;
	v36 =	vor.u32 v26, v17  }
0x2dc: {  	v46 =	vor.u32 v3, v29;
	v40 =	vld.idx.msk [tilespmem:v40+s14+$0x0], $0xffff  }
0x2dd: {  	v54 =	vor.u32 v14, v16;
	v47 =	vor.u32 v3, v51;
	v43 =	vld.idx.msk [tilespmem:v43+s14+$0x0], $0xffff  }
0x2de: {  	v55 =	vor.u32 v20, v51;
	[tilespmem:v37+s19+$0x0] =	vst.idx.add.f32.msk $0xffff, v44  }
0x2df: {  	v44 =	vor.u32 v3, v53;
	v37 =	vld.idx.msk [tilespmem:v52+s14+$0x0], $0xffff;
	v52 =	vor.u32 v26, v16  }
0x2e0: {  	v56 =	vor.u32 v20, v53;
	v36 =	vld.idx.msk [tilespmem:v36+s14+$0x0], $0xffff  }
0x2e1: {  	v57 =	vor.u32 v20, v29;
	v49 =	vld.idx.msk [tilespmem:v49+s14+$0x0], $0xffff  }
0x2e2: {  	v59 =	vor.u32 v15, v17;
	v58 =	vor.u32 v3, v33;
	v17 =	vmov v51;
	[tilespmem:v54+s19+$0x0] =	vst.idx.add.f32.msk $0xffff, v40  }
0x2e3: {  	v51 =	vor.u32 v15, v19;
	v19 =	vmov v45;
	v40 =	vor.u32 v20, v30;
	v42 =	vld.idx.msk [tilespmem:v42+s14+$0x0], $0xffff  }
0x2e4: {  	v45 =	vor.u32 v9, v17;
	v52 =	vld.idx.msk [tilespmem:v52+s14+$0x0], $0xffff  }
0x2e5: {  	v54 =	vor.u32 v21, v17;
	v41 =	vld.idx.msk [tilespmem:v41+s14+$0x0], $0xffff  }
0x2e6: {  	v61 =	vor.u32 v15, v16;
	v60 =	vor.u32 v9, v53;
	v16 =	vmov v53;
	v50 =	vld.idx.msk [tilespmem:v50+s14+$0x0], $0xffff  }
0x2e7: {  	v53 =	vor.u32 v9, v29;
	v62 =	vor.u32 v21, v16;
	[tilespmem:v59+s19+$0x0] =	vst.idx.add.f32.msk $0xffff, v36  }
0x2e8: {  	[tilespmem:v51+s19+$0x0] =	vst.idx.add.f32.msk $0xffff, v38  }
0x2e9: {  	v36 =	vor.u32 v21, v29;
	[tilespmem:v44+s19+$0x0] =	vst.idx.add.f32.msk $0xffff, v42  }
0x2ea: {  	v38 =	vor.u32 v3, v31;
	[tilespmem:v47+s19+$0x0] =	vst.idx.add.f32.msk $0xffff, v37  }
0x2eb: {  	v37 =	vor.u32 v10, v17;
	v42 =	vld.idx.msk [tilespmem:v56+s14+$0x0], $0xffff  }
0x2ec: {  	v44 =	vor.u32 v22, v17;
	[tilespmem:v61+s19+$0x0] =	vst.idx.add.f32.msk $0xffff, v52  }
0x2ed: {  	[tilespmem:v39+s19+$0x0] =	vst.idx.add.f32.msk $0xffff, v41;
	v39 =	vor.u32 v20, v33;
	v41 =	vor.u32 v10, v16  }
0x2ee: {  	v47 =	vor.u32 v22, v16;
	v40 =	vld.idx.msk [tilespmem:v40+s14+$0x0], $0xffff  }
0x2ef: {  	[tilespmem:v38+s19+$0x0] =	vst.idx.add.f32.msk $0xffff, v50;
	v38 =	vor.u32 v10, v29  }
0x2f0: {  	[tilespmem:v58+s19+$0x0] =	vst.idx.add.f32.msk $0xffff, v49  }
0x2f1: {  	v50 =	vor.u32 v11, v29;
	v49 =	vor.u32 v20, v31;
	v51 =	vld.idx.msk [tilespmem:v55+s14+$0x0], $0xffff  }
0x2f2: {  	v52 =	vor.u32 v9, v30;
	v48 =	vld.idx.msk [tilespmem:v48+s14+$0x0], $0xffff  }
0x2f3: {  	v56 =	vor.u32 v11, v17;
	v55 =	vor.u32 v21, v30;
	v39 =	vld.idx.msk [tilespmem:v39+s14+$0x0], $0xffff  }
0x2f4: {  	v58 =	vor.u32 v23, v17;
	[tilespmem:v60+s19+$0x0] =	vst.idx.add.f32.msk $0xffff, v42  }
0x2f5: {  	v42 =	vor.u32 v9, v33;
	[tilespmem:v46+s19+$0x0] =	vst.idx.add.f32.msk $0xffff, v43;
	v43 =	vor.u32 v11, v16  }
0x2f6: {  	v46 =	vld.idx.msk [tilespmem:v57+s14+$0x0], $0xffff  }
0x2f7: {  	v57 =	vor.u32 v23, v16;
	v49 =	vld.idx.msk [tilespmem:v49+s14+$0x0], $0xffff  }
0x2f8: {  	v59 =	vor.u32 v9, v31;
	v60 =	vor.u32 v23, v29;
	v61 =	vld.idx.msk [tilespmem:v62+s14+$0x0], $0xffff  }
0x2f9: {  	[tilespmem:v52+s19+$0x0] =	vst.idx.add.f32.msk $0xffff, v40;
	v40 =	vor.u32 v10, v30  }
0x2fa: {  	v52 =	vor.u32 v22, v30;
	[tilespmem:v42+s19+$0x0] =	vst.idx.add.f32.msk $0xffff, v39  }
0x2fb: {  	v39 =	vld.idx.msk [tilespmem:v55+s14+$0x0], $0xffff  }
0x2fc: {  	v42 =	vor.u32 v21, v33;
	[tilespmem:v53+s19+$0x0] =	vst.idx.add.f32.msk $0xffff, v46  }
0x2fd: {  	[tilespmem:v59+s19+$0x0] =	vst.idx.add.f32.msk $0xffff, v49  }
0x2fe: {  	v36 =	vld.idx.msk [tilespmem:v36+s14+$0x0], $0xffff  }
0x2ff: {  	[tilespmem:v41+s19+$0x0] =	vst.idx.add.f32.msk $0xffff, v61  }
0x300: {  	[tilespmem:v45+s19+$0x0] =	vst.idx.add.f32.msk $0xffff, v51  }
0x301: {  	v41 =	vld.idx.msk [tilespmem:v42+s14+$0x0], $0xffff  }
0x302: {  	v42 =	vld.idx.msk [tilespmem:v47+s14+$0x0], $0xffff  }
0x303: {  	[tilespmem:v40+s19+$0x0] =	vst.idx.add.f32.msk $0xffff, v39  }
0x304: {  	[tilespmem:v38+s19+$0x0] =	vst.idx.add.f32.msk $0xffff, v36  }
0x305: {  	v36 =	vor.u32 v10, v33;
	v35 =	vld.idx.msk [tilespmem:v35+s14+$0x0], $0xffff  }
0x306: {  	v34 =	vld.idx.msk [tilespmem:v34+s14+$0x0], $0xffff  }
0x307: {  	v38 =	vld.idx.msk [tilespmem:v52+s14+$0x0], $0xffff  }
0x308: {  	v39 =	vor.u32 v11, v30;
	v40 =	vld.idx.msk [tilespmem:v54+s14+$0x0], $0xffff  }
0x309: {  	[tilespmem:v43+s19+$0x0] =	vst.idx.add.f32.msk $0xffff, v42  }
0x30a: {  	v42 =	vor.u32 v23, v30;
	[tilespmem:v36+s19+$0x0] =	vst.idx.add.f32.msk $0xffff, v41  }
0x30b: {  	[tilespmem:v28+s19+$0x0] =	vst.idx.add.f32.msk $0xffff, v35;
	v35 =	vor.u32 v21, v31  }
0x30c: {  	v36 =	vor.u32 v20, v32;
	v28 =	vld.idx.msk [tilespmem:v57+s14+$0x0], $0xffff  }
0x30d: {  	[tilespmem:v39+s19+$0x0] =	vst.idx.add.f32.msk $0xffff, v38  }
0x30e: {  	[tilespmem:v37+s19+$0x0] =	vst.idx.add.f32.msk $0xffff, v40  }
0x30f: {  	v37 =	vor.u32 v3, v19;
	v38 =	vld.idx.msk [tilespmem:v42+s14+$0x0], $0xffff  }
0x310: {  	v35 =	vld.idx.msk [tilespmem:v35+s14+$0x0], $0xffff  }
0x311: {  	v39 =	vor.u32 v20, v19;
	v36 =	vld.idx.msk [tilespmem:v36+s14+$0x0], $0xffff  }
0x312: {  	v40 =	vor.u32 v22, v33;
	[tilespmem:v50+s19+$0x0] =	vst.idx.add.f32.msk $0xffff, v34  }
0x313: {  	v34 =	vor.u32 v10, v31;
	v41 =	vld.idx.msk [tilespmem:v60+s14+$0x0], $0xffff  }
0x314: {  	[tilespmem:v37+s19+$0x0] =	vst.idx.add.f32.msk $0xffff, v48;
	v37 =	vor.u32 v12, v29  }
0x315: {  	v42 =	vor.u32 v22, v31;
	v43 =	vld.idx.msk [tilespmem:v44+s14+$0x0], $0xffff  }
0x316: {  	v44 =	vor.u32 v9, v32;
	v39 =	vld.idx.msk [tilespmem:v39+s14+$0x0], $0xffff  }
0x317: {  	v40 =	vld.idx.msk [tilespmem:v40+s14+$0x0], $0xffff  }
0x318: {  	[tilespmem:v34+s19+$0x0] =	vst.idx.add.f32.msk $0xffff, v35  }
0x319: {  	v34 =	vor.u32 v9, v19;
	[tilespmem:v37+s19+$0x0] =	vst.idx.add.f32.msk $0xffff, v41  }
0x31a: {  	v35 =	vor.u32 v21, v32;
	v37 =	vld.idx.msk [tilespmem:v42+s14+$0x0], $0xffff  }
0x31b: {  	[tilespmem:v44+s19+$0x0] =	vst.idx.add.f32.msk $0xffff, v36;
	v36 =	vor.u32 v11, v31  }
0x31c: {  	v41 =	vor.u32 v23, v31;
	[tilespmem:v56+s19+$0x0] =	vst.idx.add.f32.msk $0xffff, v43  }
0x31d: {  	v42 =	vor.u32 v11, v33;
	v43 =	vld.idx.msk [tilespmem:v58+s14+$0x0], $0xffff  }
0x31e: {  	[tilespmem:v34+s19+$0x0] =	vst.idx.add.f32.msk $0xffff, v39;
	v34 =	vor.u32 v23, v33  }
0x31f: {  	v39 =	vor.u32 v12, v17;
	v35 =	vld.idx.msk [tilespmem:v35+s14+$0x0], $0xffff  }
0x320: {  	v44 =	vor.u32 v12, v30;
	[tilespmem:v36+s19+$0x0] =	vst.idx.add.f32.msk $0xffff, v37  }
0x321: {  	v36 =	vor.u32 v10, v32;
	v37 =	vld.idx.msk [tilespmem:v41+s14+$0x0], $0xffff  }
0x322: {  	v41 =	vor.u32 v22, v32;
	[tilespmem:v42+s19+$0x0] =	vst.idx.add.f32.msk $0xffff, v40  }
0x323: {  	v40 =	vor.u32 v12, v31;
	v34 =	vld.idx.msk [tilespmem:v34+s14+$0x0], $0xffff  }
0x324: {  	v42 =	vor.u32 v24, v31;
	[tilespmem:v39+s19+$0x0] =	vst.idx.add.f32.msk $0xffff, v43  }
0x325: {  	v39 =	vor.u32 v21, v19;
	[tilespmem:v44+s19+$0x0] =	vst.idx.add.f32.msk $0xffff, v38  }
0x326: {  	[tilespmem:v36+s19+$0x0] =	vst.idx.add.f32.msk $0xffff, v35;
	v35 =	vor.u32 v12, v33  }
0x327: {  	v38 =	vor.u32 v24, v33;
	v36 =	vld.idx.msk [tilespmem:v41+s14+$0x0], $0xffff  }
0x328: {  	v41 =	vor.u32 v11, v32;
	[tilespmem:v40+s19+$0x0] =	vst.idx.add.f32.msk $0xffff, v37  }
0x329: {  	v37 =	vor.u32 v23, v32;
	v40 =	vld.idx.msk [tilespmem:v42+s14+$0x0], $0xffff  }
0x32a: {  	v42 =	vor.u32 v13, v31;
	v39 =	vld.idx.msk [tilespmem:v39+s14+$0x0], $0xffff  }
0x32b: {  	v43 =	vor.u32 v24, v30;
	[tilespmem:v35+s19+$0x0] =	vst.idx.add.f32.msk $0xffff, v34  }
0x32c: {  	v35 =	vor.u32 v24, v29;
	v34 =	vld.idx.msk [tilespmem:v38+s14+$0x0], $0xffff  }
0x32d: {  	v38 =	vor.u32 v10, v19;
	[tilespmem:v41+s19+$0x0] =	vst.idx.add.f32.msk $0xffff, v36;
	v36 =	vor.u32 v13, v33  }
0x32e: {  	v37 =	vld.idx.msk [tilespmem:v37+s14+$0x0], $0xffff  }
0x32f: {  	v41 =	vor.u32 v12, v32;
	[tilespmem:v42+s19+$0x0] =	vst.idx.add.f32.msk $0xffff, v40  }
0x330: {  	v40 =	vor.u32 v22, v19;
	v42 =	vor.u32 v24, v32;
	v43 =	vld.idx.msk [tilespmem:v43+s14+$0x0], $0xffff  }
0x331: {  	v35 =	vld.idx.msk [tilespmem:v35+s14+$0x0], $0xffff  }
0x332: {  	[tilespmem:v36+s19+$0x0] =	vst.idx.add.f32.msk $0xffff, v34;
	v34 =	vor.u32 v13, v29  }
0x333: {  	v36 =	vor.u32 v25, v33;
	[tilespmem:v38+s19+$0x0] =	vst.idx.add.f32.msk $0xffff, v39  }
0x334: {  	[tilespmem:v41+s19+$0x0] =	vst.idx.add.f32.msk $0xffff, v37;
	v37 =	vor.u32 v25, v31  }
0x335: {  	v39 =	vor.u32 v25, v29;
	v38 =	vld.idx.msk [tilespmem:v42+s14+$0x0], $0xffff  }
0x336: {  	v41 =	vor.u32 v13, v32;
	v40 =	vld.idx.msk [tilespmem:v40+s14+$0x0], $0xffff  }
0x337: {  	v44 =	vor.u32 v25, v32;
	v42 =	vor.u32 v11, v19;
	[tilespmem:v34+s19+$0x0] =	vst.idx.add.f32.msk $0xffff, v35  }
0x338: {  	v34 =	vor.u32 v23, v19;
	v35 =	vld.idx.msk [tilespmem:v36+s14+$0x0], $0xffff  }
0x339: {  	v36 =	vld.idx.msk [tilespmem:v37+s14+$0x0], $0xffff  }
0x33a: {  	v37 =	vor.u32 v14, v31;
	v39 =	vld.idx.msk [tilespmem:v39+s14+$0x0], $0xffff  }
0x33b: {  	[tilespmem:v41+s19+$0x0] =	vst.idx.add.f32.msk $0xffff, v38;
	v38 =	vor.u32 v14, v33  }
0x33c: {  	v45 =	vor.u32 v26, v33;
	v41 =	vor.u32 v24, v19;
	v44 =	vld.idx.msk [tilespmem:v44+s14+$0x0], $0xffff  }
0x33d: {  	[tilespmem:v42+s19+$0x0] =	vst.idx.add.f32.msk $0xffff, v40;
	v40 =	vor.u32 v14, v29  }
0x33e: {  	v46 =	vor.u32 v14, v32;
	v42 =	vld.idx.msk [tilespmem:v34+s14+$0x0], $0xffff  }
0x33f: {  	v47 =	vor.u32 v26, v32;
	[tilespmem:v37+s19+$0x0] =	vst.idx.add.f32.msk $0xffff, v36  }
0x340: {  	v36 =	vor.u32 v13, v30;
	[tilespmem:v38+s19+$0x0] =	vst.idx.add.f32.msk $0xffff, v35  }
0x341: {  	v37 =	vor.u32 v25, v30;
	v35 =	vor.u32 v12, v19;
	v45 =	vld.idx.msk [tilespmem:v45+s14+$0x0], $0xffff  }
0x342: {  	v48 =	vor.u32 v13, v19;
	[tilespmem:v40+s19+$0x0] =	vst.idx.add.f32.msk $0xffff, v39  }
0x343: {  	v34 =	vor.u32 v25, v19;
	[tilespmem:v46+s19+$0x0] =	vst.idx.add.f32.msk $0xffff, v44  }
0x344: {  	v39 =	vor.u32 v24, v17;
	v38 =	vld.idx.msk [tilespmem:v47+s14+$0x0], $0xffff  }
0x345: {  	v32 =	vor.u32 v15, v32;
	[tilespmem:v36+s19+$0x0] =	vst.idx.add.f32.msk $0xffff, v43  }
0x346: {  	v40 =	vor.u32 v26, v31;
	v37 =	vld.idx.msk [tilespmem:v37+s14+$0x0], $0xffff  }
0x347: {  	[tilespmem:v35+s19+$0x0] =	vst.idx.add.f32.msk $0xffff, v42;
	v35 =	vor.u32 v14, v30  }
0x348: {  	v33 =	vor.u32 v15, v33;
	v41 =	vld.idx.msk [tilespmem:v41+s14+$0x0], $0xffff  }
0x349: {  	v39 =	vld.idx.msk [tilespmem:v39+s14+$0x0], $0xffff  }
.Ltmp2:
0x34a: {  	[tilespmem:v32+s19+$0x0] =	vst.idx.add.f32.msk $0xffff, v38;
	(pc) =	sbr.rel @p0 .LBB2_7-.Ltmp2, $4  }
0x34b: {  	v36 =	vor.u32 v15, v30;
	v32 =	vor.u32 v26, v30;
	v30 =	vld.idx.msk [tilespmem:v40+s14+$0x0], $0xffff  }
0x34c: {  	v31 =	vor.u32 v15, v31;
	[tilespmem:v35+s19+$0x0] =	vst.idx.add.f32.msk $0xffff, v37;
	v37 =	vor.u32 v15, v29  }
0x34d: {  	v38 =	vor.u32 v26, v19;
	[tilespmem:v33+s19+$0x0] =	vst.idx.add.f32.msk $0xffff, v45;
	v33 =	vor.u32 v26, v29  }
0x34e: {  	s3 =	smov.u32 s28;
	v40 =	vor.u32 v14, v19;
	[tilespmem:v48+s19+$0x0] =	vst.idx.add.f32.msk $0xffff, v41;
	v41 =	vor.u32 v12, v16  }
0x34f: {  	_ =	sdelay $0x3  }
0x350: {  	v18 =	vld.idx.msk [tilespmem:v34+s14+$0x0], $0xffff  }
0x351: {  	v20 =	vor.u32 v13, v17;
	v21 =	vld.idx.msk [tilespmem:v32+s14+$0x0], $0xffff  }
0x352: {  	v22 =	vor.u32 v25, v17;
	[tilespmem:v41+s19+$0x0] =	vst.idx.add.f32.msk $0xffff, v28  }
0x353: {  	v24 =	vor.u32 v13, v16;
	v23 =	vld.idx.msk [tilespmem:v27+s14+$0x0], $0xffff  }
0x354: {  	v57 =	vor.u32 v25, v16;
	v58 =	vld.idx.msk [tilespmem:v33+s14+$0x0], $0xffff  }
0x355: {  	[tilespmem:v31+s19+$0x0] =	vst.idx.add.f32.msk $0xffff, v30  }
0x356: {  	[tilespmem:v20+s19+$0x0] =	vst.idx.add.f32.msk $0xffff, v39  }
0x357: {  	v59 =	vor.u32 v14, v17;
	v20 =	vld.idx.msk [tilespmem:v22+s14+$0x0], $0xffff  }
0x358: {  	v60 =	vor.u32 v26, v17;
	[tilespmem:v24+s19+$0x0] =	vst.idx.add.f32.msk $0xffff, v23  }
0x359: {  	v61 =	vor.u32 v14, v16;
	v24 =	vld.idx.msk [tilespmem:v57+s14+$0x0], $0xffff  }
0x35a: {  	v62 =	vor.u32 v26, v16;
	[tilespmem:v40+s19+$0x0] =	vst.idx.add.f32.msk $0xffff, v18  }
0x35b: {  	v63 =	vld.idx.msk [tilespmem:v38+s14+$0x0], $0xffff  }
0x35c: {  	[tilespmem:v59+s19+$0x0] =	vst.idx.add.f32.msk $0xffff, v20  }
0x35d: {  	v19 =	vor.u32 v15, v19;
	v20 =	vld.idx.msk [tilespmem:v60+s14+$0x0], $0xffff  }
0x35e: {  	v17 =	vor.u32 v15, v17;
	[tilespmem:v61+s19+$0x0] =	vst.idx.add.f32.msk $0xffff, v24  }
0x35f: {  	v16 =	vor.u32 v15, v16;
	s26 =	sadd.s32 $0x1, s26;
	v18 =	vld.idx.msk [tilespmem:v62+s14+$0x0], $0xffff  }
0x360: {  	p0 =	sne.s32 s26, $0x19;
	[tilespmem:v37+s19+$0x0] =	vst.idx.add.f32.msk $0xffff, v58  }
.Ltmp3:
0x361: {  	[tilespmem:v36+s19+$0x0] =	vst.idx.add.f32.msk $0xffff, v21;
	(pc) =	sbr.rel @p0 .LBB2_4-.Ltmp3, $4  }
0x362: {  	[tilespmem:v19+s19+$0x0] =	vst.idx.add.f32.msk $0xffff, v63  }
0x363: {  	s0 =	sshll.u32 s29, $0x4;
	[tilespmem:v17+s19+$0x0] =	vst.idx.add.f32.msk $0xffff, v20  }
0x364: {  	s0 =	sadd.s32 s5, s0;
	[tilespmem:v16+s19+$0x0] =	vst.idx.add.f32.msk $0xffff, v18  }
0x365: {  	[hbm4b:s0+s7] =	stream.linear.scatter [tilespmem:s19], [sflag:$0x4], $0x4000, $0x38;
	[tilespmem:$0x1E000] =	vst v63  }
0x366: {  	s24 =	sadd.s32 $0x1, s24  }
0x367: {  	_ =	swait.ge [sflag:s22], $0x4000;
	p0 =	sne.s32 s24, s10  }
.Ltmp4:
0x368: {  	[sflag:s22] =	ssyncset.done $0x0;
	(pc) =	sbr.rel @p0 .LBB2_1-.Ltmp4, $4  }
0x369: {  	[sflag:s22] =	ssyncadd.s32 $0xFFFFC000  }
0x36a: {  	_ =	swait.ge [sflag:s23], $0x4000  }
0x36b: {  	[sflag:s23] =	ssyncset.done $0x0  }
0x36c: {  	[sflag:s23] =	ssyncadd.s32 $0xFFFFC000  }
0x36d: {  	_ =	sfence.sel $0x180000  }
0x36e: {  	[bflag:$0x0] =	sbarrier.arrive $0xFFFF  }
0x36f: {  	_ =	strace $0x90000047  }
0x370: {  	s0 =	stileid.u32;
	[bflag:$0x2] =	sbarrier.arrive $0xFFFF  }
0x371: {  	p0 =	sne.s32 s0, $0x0;
	s0 =	rddreg [dreg:$0x5]  }
0x372: {  	s0 =	sadd.s32 @!p0 $0x100000, s0  }
0x373: {  	[sflag:s0] =	ssyncadd.tile.s32 @!p0 $0x1;
	_ =	shalt  }
.Lfunc_end2:
_tile_overlayer_lowered:
.L_overlay_start_2:
0x374: {  	(tag) =	ssettag $0x2  }
0x375: {  	s0 =	rddreg [dreg:$0x0];
	s2 =	stileid.u32  }
0x376: {  	s1 =	rddreg [dreg:$0x1];
	p0 =	sne.s32 s2, $0x0  }
0x377: {  	s3 =	rddreg [dreg:$0x2];
	[bflag:$0x3] =	sbarrier.arrive $0xFFFF;
	s2 =	simm.s32 @!p0 $0x1C05  }
0x378: {  	[timem:s3], [sflag:s2] =	dma.local @!p0 [hbm:s0], s1  }
0x379: {  	s0 =	simm.s32 @!p0 $0x5  }
0x37a: {  	_ =	swait.ge @!p0 [sflag:s0], s1  }
0x37b: {  	s1 =	ssub.s32 @!p0 $0x0, s1;
	[sflag:s0] =	ssyncset.done @!p0 $0x0  }
0x37c: {  	[sflag:s0] =	ssyncadd.s32 @!p0 s1  }
0x37d: {  	[bflag:$0x3] =	sbarrier.arrive $0xFFFF  }
0x37e: {  	_ =	shalt  }

</sc_bundles>
